<compile_context>
chip_gen: v7x
topology: tpu7x:2x2x1
jax: 0.10.2.dev20260603
libtpu: 0.0.44.dev20260713+nightly
codegen_flags: <defaults>
</compile_context>

<pallas_src>
import functools

import jax
import jax.numpy as jnp
from jax import lax
from jax.experimental import pallas as pl
from jax.experimental.pallas import tpu as pltpu
from jax.experimental.pallas import tpu_sc as plsc

N = 10000
E = 320000
C = 128
TEMP = 4.0
HIGH_FREQ_SCALE = 2.0

NUM_CORES = 2
NUM_SUBCORES = 16
CHUNK = 128
EDGES_PER_TILE = 20096
E_PAD = EDGES_PER_TILE * NUM_SUBCORES
CHUNKS_PER_TILE = EDGES_PER_TILE // CHUNK
N_PAD = 10240
ROWS_PER_TILE = N_PAD // NUM_SUBCORES


def _sc_segment_sums(zt, row, col2):
    mesh = plsc.VectorSubcoreMesh(core_axis_name="c", subcore_axis_name="s")

    @functools.partial(
        pl.kernel,
        mesh=mesh,
        out_type=[
            jax.ShapeDtypeStruct((NUM_CORES, N_PAD, C), jnp.float32),
            jax.ShapeDtypeStruct((N_PAD,), jnp.float32),
        ],
        scratch_types=[
            pltpu.VMEM((CHUNK,), jnp.int32),
            pltpu.VMEM((CHUNK,), jnp.int32),
            pltpu.VMEM((CHUNK, C), jnp.float32),
            pltpu.VMEM((ROWS_PER_TILE,), jnp.float32),
            pltpu.VMEM((CHUNK,), jnp.float32),
            pltpu.VMEM_SHARED((N_PAD, C), jnp.float32),
            pltpu.VMEM_SHARED((N_PAD,), jnp.float32),
            pltpu.SemaphoreType.DMA,
        ],
    )
    def k(zt_hbm, row_hbm, col2_hbm, sums_hbm, deg_hbm,
          idx_row, idx_col, rows_v, zdeg, ones_v, acc, dacc, sem):
        c = lax.axis_index("c")
        s = lax.axis_index("s")
        zero16 = jnp.zeros((16,), jnp.float32)

        def zrow_body(i, carry):
            for kk in range(C // 16):
                rows_v[i, pl.ds(kk * 16, 16)] = zero16
            return carry
        lax.fori_loop(0, CHUNK, zrow_body, 0)

        def zdeg_body(i, carry):
            zdeg[pl.ds(i * 16, 16)] = zero16
            return carry
        lax.fori_loop(0, ROWS_PER_TILE // 16, zdeg_body, 0)

        def ones_body(i, carry):
            ones_v[pl.ds(i * 16, 16)] = zero16 + 1.0
            return carry
        lax.fori_loop(0, CHUNK // 16, ones_body, 0)

        base_rows = s * ROWS_PER_TILE
        for j in range(ROWS_PER_TILE // CHUNK):
            pltpu.sync_copy(rows_v, acc.at[pl.ds(base_rows + j * CHUNK, CHUNK)])
        pltpu.sync_copy(zdeg, dacc.at[pl.ds(base_rows, ROWS_PER_TILE)])
        plsc.subcore_barrier()

        edge_base = s * EDGES_PER_TILE

        def body(i, carry):
            b = edge_base + i * CHUNK
            pltpu.sync_copy(row_hbm.at[pl.ds(b, CHUNK)], idx_row)
            pltpu.sync_copy(col2_hbm.at[c, pl.ds(b, CHUNK)], idx_col)
            pltpu.async_copy(zt_hbm.at[idx_col], rows_v, sem).wait()
            pltpu.sync_copy(rows_v, acc.at[idx_row], add=True)
            pltpu.sync_copy(ones_v, dacc.at[idx_row], add=True)
            return carry
        lax.fori_loop(0, CHUNKS_PER_TILE, body, 0)

        plsc.subcore_barrier()

        for j in range(ROWS_PER_TILE // CHUNK):
            r = base_rows + j * CHUNK
            pltpu.sync_copy(acc.at[pl.ds(r, CHUNK)], sums_hbm.at[c, pl.ds(r, CHUNK)])

        @pl.when(c == 0)
        def _():
            pltpu.sync_copy(dacc.at[pl.ds(base_rows, ROWS_PER_TILE)],
                            deg_hbm.at[pl.ds(base_rows, ROWS_PER_TILE)])

    return k(zt, row, col2)


def _tc_loss_body(s_ref, t_ref, ss_ref, ts_ref, deg_ref, h_ref, out_ref):
    pi = pl.program_id(0)
    s = s_ref[...]
    t = t_ref[...]
    d = deg_ref[...]
    d = jnp.where(d == 0.0, 1.0, d)
    s_low = ss_ref[...] / d
    t_low = ts_ref[...] / d

    inv_t = jnp.float32(1.0 / TEMP)
    xs = s_low * inv_t
    xt = t_low * inv_t
    ms = jnp.max(xs, axis=1, keepdims=True)
    log_ps = xs - ms - jnp.log(jnp.sum(jnp.exp(xs - ms), axis=1, keepdims=True))
    mt = jnp.max(xt, axis=1, keepdims=True)
    log_pt = xt - mt - jnp.log(jnp.sum(jnp.exp(xt - mt), axis=1, keepdims=True))
    p_t = jnp.exp(log_pt)
    loss_low = jnp.sum(p_t * (log_pt - log_ps), axis=1, keepdims=True) * jnp.float32(TEMP * TEMP)

    diff = (s - t) - (s_low - t_low)
    loss_high = jnp.sum(diff * diff, axis=1, keepdims=True) * jnp.float32(HIGH_FREQ_SCALE / C)

    h = h_ref[...]
    wl = h * loss_low + (1.0 - h) * loss_high
    part = jnp.sum(wl) * jnp.float32(1.0 / N)

    @pl.when(pi == 0)
    def _():
        out_ref[0, 0] = part

    @pl.when(pi != 0)
    def _():
        out_ref[0, 0] += part


def _tc_loss(s, t, ssum, tsum, deg, h):
    blocks = 5
    br = N // blocks
    grid = (blocks,)
    row_spec = pl.BlockSpec((br, C), lambda i: (i, 0))
    col_spec = pl.BlockSpec((br, 1), lambda i: (i, 0))
    out = pl.pallas_call(
        _tc_loss_body,
        grid=grid,
        in_specs=[row_spec, row_spec, row_spec, row_spec, col_spec, col_spec],
        out_specs=pl.BlockSpec(memory_space=pltpu.MemorySpace.SMEM),
        out_shape=jax.ShapeDtypeStruct((1, 1), jnp.float32),
    )(s, t, ssum, tsum, deg, h)
    return jnp.reshape(out, ())


def kernel(logits_student, logits_teacher, edge_index, homophily):
    row = edge_index[0]
    col = edge_index[1]
    pad = E_PAD - E
    row_p = jnp.concatenate([row, jnp.full((pad,), N, jnp.int32)])
    col_p = jnp.concatenate([col, jnp.zeros((pad,), jnp.int32)])
    col2 = jnp.stack([col_p, col_p + N])
    zt = jnp.concatenate([logits_student, logits_teacher], axis=0)

    sums, deg = _sc_segment_sums(zt, row_p, col2)
    ssum = sums[0, :N]
    tsum = sums[1, :N]
    deg = deg[:N].reshape(N, 1)
    h = homophily.reshape(N, 1)
    return _tc_loss(logits_student, logits_teacher, ssum, tsum, deg, h)

# --- scband reference (transcript-rebuilt; emitter-appended) ---
"""Pipeline reference for scband-adaptive-spectral-kdloss-52261162058529 (READ-ONLY COPY).

The authoritative reference and input builder live on the scoring server;
editing this copy changes nothing except your own understanding.
"""

import jax, jax.numpy as jnp
import numpy as np

N = 10000
E = 320000
C = 128
TEMP = 4.0
ALPHA_LOW = 1.0
ALPHA_HIGH = 1.0
HIGH_FREQ_SCALE = 2.0


def setup_inputs(seed: int = 0) -> dict:
    key = jax.random.key(seed)
    k1, k2, k3, k4 = jax.random.split(key, 4)
    logits_student = jax.random.normal(k1, (N, C), dtype=jnp.float32)
    logits_teacher = jax.random.normal(k2, (N, C), dtype=jnp.float32)
    edge_index = jax.random.randint(k3, (2, E), 0, N, dtype=jnp.int32)
    homophily = jax.random.uniform(k4, (N,), dtype=jnp.float32)
    return {
        "logits_student": logits_student,
        "logits_teacher": logits_teacher,
        "edge_index": edge_index,
        "homophily": homophily,
    }


def reference(logits_student, logits_teacher, edge_index, homophily):
    n = logits_student.shape[0]
    row = edge_index[0]
    col = edge_index[1]
    # degree (row sums of A); P = D^{-1} A (random walk normalization)
    deg = jax.ops.segment_sum(jnp.ones(row.shape[0], dtype=jnp.float32), row, num_segments=n)
    deg = jnp.where(deg == 0, 1.0, deg)

    def decompose(Z):
        # Z_low = P @ Z : gather source features, scatter-add to dst rows, normalize
        Z_low = jax.ops.segment_sum(Z[col], row, num_segments=n) / deg[:, None]
        Z_high = Z - Z_low
        return Z_low, Z_high

    T_low, T_high = decompose(logits_teacher)
    S_low, S_high = decompose(logits_student)

    # KL divergence loss with temperature scaling (per node)
    p_s = jax.nn.log_softmax(S_low / TEMP, axis=1)
    log_p_t = jax.nn.log_softmax(T_low / TEMP, axis=1)
    p_t = jnp.exp(log_p_t)
    loss_low = jnp.sum(p_t * (log_p_t - p_s), axis=1) * (TEMP * TEMP)

    # MSE loss for high-frequency components (per node)
    loss_high = jnp.mean((S_high - T_high) ** 2, axis=1) * HIGH_FREQ_SCALE

    h = homophily
    weighted_loss = ALPHA_LOW * h * loss_low + ALPHA_HIGH * (1.0 - h) * loss_high
    loss = jnp.mean(weighted_loss)
    return loss

if __name__ == "__main__":
    import jax
    _d = setup_inputs()
    print(jax.jit(kernel)(*tuple(_d.values())))

</pallas_src>

<mosaic_0001>
#map = affine_map<(d0, d1) -> (0, 0)>
#map1 = affine_map<(d0, d1) -> (0)>
#map2 = affine_map<(d0, d1) -> (0, 0, 0)>
module attributes {stable_mosaic.version = 14 : i64} {
  func.func @k(%arg0: i32, %arg1: i32, %arg2: memref<20000x128xf32, #tpu.memory_space<hbm>>, %arg3: memref<321536xi32, #tpu.memory_space<hbm>>, %arg4: memref<2x321536xi32, #tpu.memory_space<hbm>>, %arg5: memref<2x10240x128xf32, #tpu.memory_space<hbm>>, %arg6: memref<10240xf32, #tpu.memory_space<hbm>>, %arg7: memref<128xi32, #tpu.memory_space<vmem>>, %arg8: memref<128xi32, #tpu.memory_space<vmem>>, %arg9: memref<128x128xf32, #tpu.memory_space<vmem>>, %arg10: memref<640xf32, #tpu.memory_space<vmem>>, %arg11: memref<128xf32, #tpu.memory_space<vmem>>, %arg12: memref<10240x128xf32, #tpu.memory_space<vmem_shared>>, %arg13: memref<10240xf32, #tpu.memory_space<vmem_shared>>, %arg14: memref<!tpu.dma_semaphore, #tpu.memory_space<semaphore_mem>>) attributes {dimension_semantics = [#tpu.dimension_semantics<core_parallel>, #tpu.dimension_semantics<subcore_parallel>], iteration_bounds = array<i64: 2, 16>, scalar_prefetch = 0 : i64, scratch_operands = 8 : i64, tpu.core_type = #tpu.core_type<sc_vector_subcore>, window_params = [{transform_indices = #map}, {transform_indices = #map1}, {transform_indices = #map}, {transform_indices = #map2}, {transform_indices = #map1}]} {
    %broadcast_in_dim3A = arith.constant 0.000000e+00 : f32
    %broadcast_in_dim3A_0 = vector.broadcast %broadcast_in_dim3A : f32 to vector<16xf32>
    %scan3A = arith.constant 0 : i32
    %scan3A_1 = arith.constant 0 : i32
    %scan3A_2 = arith.constant 128 : i32
    %scan3A_3 = arith.addi %scan3A_1, %scan3A_2 : i32
    %scan3A_4 = arith.constant 1 : i32
    scf.for %scan3A_49 = %scan3A_1 to %scan3A_3 step %scan3A_4  : i32 {
      %swap3A = arith.index_cast %scan3A_49 : i32 to index
      %swap3A_50 = arith.constant 0 : index
      %swap3A_51 = tpu.vector_load %arg9[%swap3A, %swap3A_50] {strides = array<i32>} : memref<128x128xf32, #tpu.memory_space<vmem>>, vector<1x16xf32>,
      %swap3A_52 = vector.shape_cast %swap3A_51 : vector<1x16xf32> to vector<16xf32>
      %swap3A_53 = vector.shape_cast %broadcast_in_dim3A_0 : vector<16xf32> to vector<1x16xf32>
      tpu.vector_store %arg9[%swap3A, %swap3A_50], %swap3A_53 {strides = array<i32>} : memref<128x128xf32, #tpu.memory_space<vmem>>, vector<1x16xf32>,
      %swap3A_54 = arith.index_cast %scan3A_49 : i32 to index
      %swap3A_55 = arith.constant 16 : index
      %swap3A_56 = tpu.vector_load %arg9[%swap3A_54, %swap3A_55] {strides = array<i32>} : memref<128x128xf32, #tpu.memory_space<vmem>>, vector<1x16xf32>,
      %swap3A_57 = vector.shape_cast %swap3A_56 : vector<1x16xf32> to vector<16xf32>
      %swap3A_58 = vector.shape_cast %broadcast_in_dim3A_0 : vector<16xf32> to vector<1x16xf32>
      tpu.vector_store %arg9[%swap3A_54, %swap3A_55], %swap3A_58 {strides = array<i32>} : memref<128x128xf32, #tpu.memory_space<vmem>>, vector<1x16xf32>,
      %swap3A_59 = arith.index_cast %scan3A_49 : i32 to index
      %swap3A_60 = arith.constant 32 : index
      %swap3A_61 = tpu.vector_load %arg9[%swap3A_59, %swap3A_60] {strides = array<i32>} : memref<128x128xf32, #tpu.memory_space<vmem>>, vector<1x16xf32>,
      %swap3A_62 = vector.shape_cast %swap3A_61 : vector<1x16xf32> to vector<16xf32>
      %swap3A_63 = vector.shape_cast %broadcast_in_dim3A_0 : vector<16xf32> to vector<1x16xf32>
      tpu.vector_store %arg9[%swap3A_59, %swap3A_60], %swap3A_63 {strides = array<i32>} : memref<128x128xf32, #tpu.memory_space<vmem>>, vector<1x16xf32>,
      %swap3A_64 = arith.index_cast %scan3A_49 : i32 to index
      %swap3A_65 = arith.constant 48 : index
      %swap3A_66 = tpu.vector_load %arg9[%swap3A_64, %swap3A_65] {strides = array<i32>} : memref<128x128xf32, #tpu.memory_space<vmem>>, vector<1x16xf32>,
      %swap3A_67 = vector.shape_cast %swap3A_66 : vector<1x16xf32> to vector<16xf32>
      %swap3A_68 = vector.shape_cast %broadcast_in_dim3A_0 : vector<16xf32> to vector<1x16xf32>
      tpu.vector_store %arg9[%swap3A_64, %swap3A_65], %swap3A_68 {strides = array<i32>} : memref<128x128xf32, #tpu.memory_space<vmem>>, vector<1x16xf32>,
      %swap3A_69 = arith.index_cast %scan3A_49 : i32 to index
      %swap3A_70 = arith.constant 64 : index
      %swap3A_71 = tpu.vector_load %arg9[%swap3A_69, %swap3A_70] {strides = array<i32>} : memref<128x128xf32, #tpu.memory_space<vmem>>, vector<1x16xf32>,
      %swap3A_72 = vector.shape_cast %swap3A_71 : vector<1x16xf32> to vector<16xf32>
      %swap3A_73 = vector.shape_cast %broadcast_in_dim3A_0 : vector<16xf32> to vector<1x16xf32>
      tpu.vector_store %arg9[%swap3A_69, %swap3A_70], %swap3A_73 {strides = array<i32>} : memref<128x128xf32, #tpu.memory_space<vmem>>, vector<1x16xf32>,
      %swap3A_74 = arith.index_cast %scan3A_49 : i32 to index
      %swap3A_75 = arith.constant 80 : index
      %swap3A_76 = tpu.vector_load %arg9[%swap3A_74, %swap3A_75] {strides = array<i32>} : memref<128x128xf32, #tpu.memory_space<vmem>>, vector<1x16xf32>,
      %swap3A_77 = vector.shape_cast %swap3A_76 : vector<1x16xf32> to vector<16xf32>
      %swap3A_78 = vector.shape_cast %broadcast_in_dim3A_0 : vector<16xf32> to vector<1x16xf32>
      tpu.vector_store %arg9[%swap3A_74, %swap3A_75], %swap3A_78 {strides = array<i32>} : memref<128x128xf32, #tpu.memory_space<vmem>>, vector<1x16xf32>,
      %swap3A_79 = arith.index_cast %scan3A_49 : i32 to index
      %swap3A_80 = arith.constant 96 : index
      %swap3A_81 = tpu.vector_load %arg9[%swap3A_79, %swap3A_80] {strides = array<i32>} : memref<128x128xf32, #tpu.memory_space<vmem>>, vector<1x16xf32>,
      %swap3A_82 = vector.shape_cast %swap3A_81 : vector<1x16xf32> to vector<16xf32>
      %swap3A_83 = vector.shape_cast %broadcast_in_dim3A_0 : vector<16xf32> to vector<1x16xf32>
      tpu.vector_store %arg9[%swap3A_79, %swap3A_80], %swap3A_83 {strides = array<i32>} : memref<128x128xf32, #tpu.memory_space<vmem>>, vector<1x16xf32>,
      %swap3A_84 = arith.index_cast %scan3A_49 : i32 to index
      %swap3A_85 = arith.constant 112 : index
      %swap3A_86 = tpu.vector_load %arg9[%swap3A_84, %swap3A_85] {strides = array<i32>} : memref<128x128xf32, #tpu.memory_space<vmem>>, vector<1x16xf32>,
      %swap3A_87 = vector.shape_cast %swap3A_86 : vector<1x16xf32> to vector<16xf32>
      %swap3A_88 = vector.shape_cast %broadcast_in_dim3A_0 : vector<16xf32> to vector<1x16xf32>
      tpu.vector_store %arg9[%swap3A_84, %swap3A_85], %swap3A_88 {strides = array<i32>} : memref<128x128xf32, #tpu.memory_space<vmem>>, vector<1x16xf32>,
    }
    %scan3A_5 = arith.constant 128 : i32
    %scan3A_6 = arith.constant 0 : i32
    %scan3A_7 = arith.constant 0 : i32
    %scan3A_8 = arith.constant 40 : i32
    %scan3A_9 = arith.addi %scan3A_7, %scan3A_8 : i32
    %scan3A_10 = arith.constant 1 : i32
    scf.for %scan3A_49 = %scan3A_7 to %scan3A_9 step %scan3A_10  : i32 {
      %mul3A_50 = arith.constant 16 : i32
      %mul3A_51 = arith.muli %scan3A_49, %mul3A_50 : i32
      %swap3A = arith.index_cast %mul3A_51 : i32 to index
      %swap3A_52 = tpu.vector_load %arg10[%swap3A] {strides = array<i32>} : memref<640xf32, #tpu.memory_space<vmem>>, vector<16xf32>,
      %swap3A_53 = vector.shape_cast %swap3A_52 : vector<16xf32> to vector<16xf32>
      %swap3A_54 = vector.shape_cast %broadcast_in_dim3A_0 : vector<16xf32> to vector<16xf32>
      tpu.vector_store %arg10[%swap3A], %swap3A_54 {strides = array<i32>} : memref<640xf32, #tpu.memory_space<vmem>>, vector<16xf32>,
    }
    %scan3A_11 = arith.constant 40 : i32
    %scan3A_12 = arith.constant 0 : i32
    %scan3A_13 = arith.constant 0 : i32
    %scan3A_14 = arith.constant 8 : i32
    %scan3A_15 = arith.addi %scan3A_13, %scan3A_14 : i32
    %scan3A_16 = arith.constant 1 : i32
    scf.for %scan3A_49 = %scan3A_13 to %scan3A_15 step %scan3A_16  : i32 {
      %add3A_50 = arith.constant 1.000000e+00 : f32
      %add3A_51 = vector.broadcast %add3A_50 : f32 to vector<16xf32>
      %add3A_52 = arith.addf %broadcast_in_dim3A_0, %add3A_51 : vector<16xf32>
      %mul3A_53 = arith.constant 16 : i32
      %mul3A_54 = arith.muli %scan3A_49, %mul3A_53 : i32
      %swap3A = arith.index_cast %mul3A_54 : i32 to index
      %swap3A_55 = tpu.vector_load %arg11[%swap3A] {strides = array<i32>} : memref<128xf32, #tpu.memory_space<vmem>>, vector<16xf32>,
      %swap3A_56 = vector.shape_cast %swap3A_55 : vector<16xf32> to vector<16xf32>
      %swap3A_57 = vector.shape_cast %add3A_52 : vector<16xf32> to vector<16xf32>
      tpu.vector_store %arg11[%swap3A], %swap3A_57 {strides = array<i32>} : memref<128xf32, #tpu.memory_space<vmem>>, vector<16xf32>,
    }
    %scan3A_17 = arith.constant 8 : i32
    %mul3A = arith.constant 640 : i32
    %mul3A_18 = arith.muli %arg1, %mul3A : i32
    %add3A = arith.constant 0 : i32
    %add3A_19 = arith.addi %mul3A_18, %add3A : i32
    "tpu.region"() ({
      %run_scoped3A = tpu.sem_alloc : memref<!tpu.dma_semaphore, #tpu.memory_space<semaphore_mem>>
      %dma_start3A = arith.constant 0 : i32
      %dma_start3A_49 = tpu.memref_slice %arg12[%add3A_19, %dma_start3A] : memref<10240x128xf32, #tpu.memory_space<vmem_shared>> -> memref<128x128xf32, #tpu.memory_space<vmem_shared>>
      %dma_start3A_50 = arith.constant 0 : i32
      %dma_start3A_51 = tpu.memref_slice %arg12[%add3A_19, %dma_start3A_50] : memref<10240x128xf32, #tpu.memory_space<vmem_shared>> -> memref<128x128xf32, #tpu.memory_space<vmem_shared>>
      tpu.enqueue_dma source(%arg9 : memref<128x128xf32, #tpu.memory_space<vmem>>) target(%dma_start3A_51 : memref<128x128xf32, #tpu.memory_space<vmem_shared>>) target_semaphore(%run_scoped3A : memref<!tpu.dma_semaphore, #tpu.memory_space<semaphore_mem>>)
      %dma_wait3A = arith.constant 0 : i32
      %dma_wait3A_52 = tpu.memref_slice %arg12[%add3A_19, %dma_wait3A] : memref<10240x128xf32, #tpu.memory_space<vmem_shared>> -> memref<128x128xf32, #tpu.memory_space<vmem_shared>>
      %dma_wait3A_53 = arith.constant 0 : i32
      %dma_wait3A_54 = tpu.memref_slice %arg12[%add3A_19, %dma_wait3A_53] : memref<10240x128xf32, #tpu.memory_space<vmem_shared>> -> memref<128x128xf32, #tpu.memory_space<vmem_shared>>
      tpu.wait_dma2 semaphore(%run_scoped3A : memref<!tpu.dma_semaphore, #tpu.memory_space<semaphore_mem>>) src(%arg9 : memref<128x128xf32, #tpu.memory_space<vmem>>) dst(%dma_wait3A_54 : memref<128x128xf32, #tpu.memory_space<vmem_shared>>)
      tpu.yield
    }) : () -> ()
    %add3A_20 = arith.constant 128 : i32
    %add3A_21 = arith.addi %mul3A_18, %add3A_20 : i32
    "tpu.region"() ({
      %run_scoped3A = tpu.sem_alloc : memref<!tpu.dma_semaphore, #tpu.memory_space<semaphore_mem>>
      %dma_start3A = arith.constant 0 : i32
      %dma_start3A_49 = tpu.memref_slice %arg12[%add3A_21, %dma_start3A] : memref<10240x128xf32, #tpu.memory_space<vmem_shared>> -> memref<128x128xf32, #tpu.memory_space<vmem_shared>>
      %dma_start3A_50 = arith.constant 0 : i32
      %dma_start3A_51 = tpu.memref_slice %arg12[%add3A_21, %dma_start3A_50] : memref<10240x128xf32, #tpu.memory_space<vmem_shared>> -> memref<128x128xf32, #tpu.memory_space<vmem_shared>>
      tpu.enqueue_dma source(%arg9 : memref<128x128xf32, #tpu.memory_space<vmem>>) target(%dma_start3A_51 : memref<128x128xf32, #tpu.memory_space<vmem_shared>>) target_semaphore(%run_scoped3A : memref<!tpu.dma_semaphore, #tpu.memory_space<semaphore_mem>>)
      %dma_wait3A = arith.constant 0 : i32
      %dma_wait3A_52 = tpu.memref_slice %arg12[%add3A_21, %dma_wait3A] : memref<10240x128xf32, #tpu.memory_space<vmem_shared>> -> memref<128x128xf32, #tpu.memory_space<vmem_shared>>
      %dma_wait3A_53 = arith.constant 0 : i32
      %dma_wait3A_54 = tpu.memref_slice %arg12[%add3A_21, %dma_wait3A_53] : memref<10240x128xf32, #tpu.memory_space<vmem_shared>> -> memref<128x128xf32, #tpu.memory_space<vmem_shared>>
      tpu.wait_dma2 semaphore(%run_scoped3A : memref<!tpu.dma_semaphore, #tpu.memory_space<semaphore_mem>>) src(%arg9 : memref<128x128xf32, #tpu.memory_space<vmem>>) dst(%dma_wait3A_54 : memref<128x128xf32, #tpu.memory_space<vmem_shared>>)
      tpu.yield
    }) : () -> ()
    %add3A_22 = arith.constant 256 : i32
    %add3A_23 = arith.addi %mul3A_18, %add3A_22 : i32
    "tpu.region"() ({
      %run_scoped3A = tpu.sem_alloc : memref<!tpu.dma_semaphore, #tpu.memory_space<semaphore_mem>>
      %dma_start3A = arith.constant 0 : i32
      %dma_start3A_49 = tpu.memref_slice %arg12[%add3A_23, %dma_start3A] : memref<10240x128xf32, #tpu.memory_space<vmem_shared>> -> memref<128x128xf32, #tpu.memory_space<vmem_shared>>
      %dma_start3A_50 = arith.constant 0 : i32
      %dma_start3A_51 = tpu.memref_slice %arg12[%add3A_23, %dma_start3A_50] : memref<10240x128xf32, #tpu.memory_space<vmem_shared>> -> memref<128x128xf32, #tpu.memory_space<vmem_shared>>
      tpu.enqueue_dma source(%arg9 : memref<128x128xf32, #tpu.memory_space<vmem>>) target(%dma_start3A_51 : memref<128x128xf32, #tpu.memory_space<vmem_shared>>) target_semaphore(%run_scoped3A : memref<!tpu.dma_semaphore, #tpu.memory_space<semaphore_mem>>)
      %dma_wait3A = arith.constant 0 : i32
      %dma_wait3A_52 = tpu.memref_slice %arg12[%add3A_23, %dma_wait3A] : memref<10240x128xf32, #tpu.memory_space<vmem_shared>> -> memref<128x128xf32, #tpu.memory_space<vmem_shared>>
      %dma_wait3A_53 = arith.constant 0 : i32
      %dma_wait3A_54 = tpu.memref_slice %arg12[%add3A_23, %dma_wait3A_53] : memref<10240x128xf32, #tpu.memory_space<vmem_shared>> -> memref<128x128xf32, #tpu.memory_space<vmem_shared>>
      tpu.wait_dma2 semaphore(%run_scoped3A : memref<!tpu.dma_semaphore, #tpu.memory_space<semaphore_mem>>) src(%arg9 : memref<128x128xf32, #tpu.memory_space<vmem>>) dst(%dma_wait3A_54 : memref<128x128xf32, #tpu.memory_space<vmem_shared>>)
      tpu.yield
    }) : () -> ()
    %add3A_24 = arith.constant 384 : i32
    %add3A_25 = arith.addi %mul3A_18, %add3A_24 : i32
    "tpu.region"() ({
      %run_scoped3A = tpu.sem_alloc : memref<!tpu.dma_semaphore, #tpu.memory_space<semaphore_mem>>
      %dma_start3A = arith.constant 0 : i32
      %dma_start3A_49 = tpu.memref_slice %arg12[%add3A_25, %dma_start3A] : memref<10240x128xf32, #tpu.memory_space<vmem_shared>> -> memref<128x128xf32, #tpu.memory_space<vmem_shared>>
      %dma_start3A_50 = arith.constant 0 : i32
      %dma_start3A_51 = tpu.memref_slice %arg12[%add3A_25, %dma_start3A_50] : memref<10240x128xf32, #tpu.memory_space<vmem_shared>> -> memref<128x128xf32, #tpu.memory_space<vmem_shared>>
      tpu.enqueue_dma source(%arg9 : memref<128x128xf32, #tpu.memory_space<vmem>>) target(%dma_start3A_51 : memref<128x128xf32, #tpu.memory_space<vmem_shared>>) target_semaphore(%run_scoped3A : memref<!tpu.dma_semaphore, #tpu.memory_space<semaphore_mem>>)
      %dma_wait3A = arith.constant 0 : i32
      %dma_wait3A_52 = tpu.memref_slice %arg12[%add3A_25, %dma_wait3A] : memref<10240x128xf32, #tpu.memory_space<vmem_shared>> -> memref<128x128xf32, #tpu.memory_space<vmem_shared>>
      %dma_wait3A_53 = arith.constant 0 : i32
      %dma_wait3A_54 = tpu.memref_slice %arg12[%add3A_25, %dma_wait3A_53] : memref<10240x128xf32, #tpu.memory_space<vmem_shared>> -> memref<128x128xf32, #tpu.memory_space<vmem_shared>>
      tpu.wait_dma2 semaphore(%run_scoped3A : memref<!tpu.dma_semaphore, #tpu.memory_space<semaphore_mem>>) src(%arg9 : memref<128x128xf32, #tpu.memory_space<vmem>>) dst(%dma_wait3A_54 : memref<128x128xf32, #tpu.memory_space<vmem_shared>>)
      tpu.yield
    }) : () -> ()
    %add3A_26 = arith.constant 512 : i32
    %add3A_27 = arith.addi %mul3A_18, %add3A_26 : i32
    "tpu.region"() ({
      %run_scoped3A = tpu.sem_alloc : memref<!tpu.dma_semaphore, #tpu.memory_space<semaphore_mem>>
      %dma_start3A = arith.constant 0 : i32
      %dma_start3A_49 = tpu.memref_slice %arg12[%add3A_27, %dma_start3A] : memref<10240x128xf32, #tpu.memory_space<vmem_shared>> -> memref<128x128xf32, #tpu.memory_space<vmem_shared>>
      %dma_start3A_50 = arith.constant 0 : i32
      %dma_start3A_51 = tpu.memref_slice %arg12[%add3A_27, %dma_start3A_50] : memref<10240x128xf32, #tpu.memory_space<vmem_shared>> -> memref<128x128xf32, #tpu.memory_space<vmem_shared>>
      tpu.enqueue_dma source(%arg9 : memref<128x128xf32, #tpu.memory_space<vmem>>) target(%dma_start3A_51 : memref<128x128xf32, #tpu.memory_space<vmem_shared>>) target_semaphore(%run_scoped3A : memref<!tpu.dma_semaphore, #tpu.memory_space<semaphore_mem>>)
      %dma_wait3A = arith.constant 0 : i32
      %dma_wait3A_52 = tpu.memref_slice %arg12[%add3A_27, %dma_wait3A] : memref<10240x128xf32, #tpu.memory_space<vmem_shared>> -> memref<128x128xf32, #tpu.memory_space<vmem_shared>>
      %dma_wait3A_53 = arith.constant 0 : i32
      %dma_wait3A_54 = tpu.memref_slice %arg12[%add3A_27, %dma_wait3A_53] : memref<10240x128xf32, #tpu.memory_space<vmem_shared>> -> memref<128x128xf32, #tpu.memory_space<vmem_shared>>
      tpu.wait_dma2 semaphore(%run_scoped3A : memref<!tpu.dma_semaphore, #tpu.memory_space<semaphore_mem>>) src(%arg9 : memref<128x128xf32, #tpu.memory_space<vmem>>) dst(%dma_wait3A_54 : memref<128x128xf32, #tpu.memory_space<vmem_shared>>)
      tpu.yield
    }) : () -> ()
    "tpu.region"() ({
      %run_scoped3A = tpu.sem_alloc : memref<!tpu.dma_semaphore, #tpu.memory_space<semaphore_mem>>
      %dma_start3A = tpu.memref_slice %arg13[%mul3A_18] : memref<10240xf32, #tpu.memory_space<vmem_shared>> -> memref<640xf32, #tpu.memory_space<vmem_shared>>
      %dma_start3A_49 = tpu.memref_slice %arg13[%mul3A_18] : memref<10240xf32, #tpu.memory_space<vmem_shared>> -> memref<640xf32, #tpu.memory_space<vmem_shared>>
      tpu.enqueue_dma source(%arg10 : memref<640xf32, #tpu.memory_space<vmem>>) target(%dma_start3A_49 : memref<640xf32, #tpu.memory_space<vmem_shared>>) target_semaphore(%run_scoped3A : memref<!tpu.dma_semaphore, #tpu.memory_space<semaphore_mem>>)
      %dma_wait3A = tpu.memref_slice %arg13[%mul3A_18] : memref<10240xf32, #tpu.memory_space<vmem_shared>> -> memref<640xf32, #tpu.memory_space<vmem_shared>>
      %dma_wait3A_50 = tpu.memref_slice %arg13[%mul3A_18] : memref<10240xf32, #tpu.memory_space<vmem_shared>> -> memref<640xf32, #tpu.memory_space<vmem_shared>>
      tpu.wait_dma2 semaphore(%run_scoped3A : memref<!tpu.dma_semaphore, #tpu.memory_space<semaphore_mem>>) src(%arg10 : memref<640xf32, #tpu.memory_space<vmem>>) dst(%dma_wait3A_50 : memref<640xf32, #tpu.memory_space<vmem_shared>>)
      tpu.yield
    }) : () -> ()
    %barrier3A = arith.constant 0 : index
    tpu.barrier barrier_id(%barrier3A)
    %mul3A_28 = arith.constant 20096 : i32
    %mul3A_29 = arith.muli %arg1, %mul3A_28 : i32
    %scan3A_30 = arith.constant 0 : i32
    %scan3A_31 = arith.constant 0 : i32
    %scan3A_32 = arith.constant 157 : i32
    %scan3A_33 = arith.addi %scan3A_31, %scan3A_32 : i32
    %scan3A_34 = arith.constant 1 : i32
    scf.for %scan3A_49 = %scan3A_31 to %scan3A_33 step %scan3A_34  : i32 {
      %mul3A_50 = arith.constant 128 : i32
      %mul3A_51 = arith.muli %scan3A_49, %mul3A_50 : i32
      %add3A_52 = arith.addi %mul3A_29, %mul3A_51 : i32
      "tpu.region"() ({
        %run_scoped3A = tpu.sem_alloc : memref<!tpu.dma_semaphore, #tpu.memory_space<semaphore_mem>>
        %dma_start3A_57 = tpu.memref_slice %arg3[%add3A_52] : memref<321536xi32, #tpu.memory_space<hbm>> -> memref<128xi32, #tpu.memory_space<hbm>>
        %dma_start3A_58 = tpu.memref_slice %arg3[%add3A_52] : memref<321536xi32, #tpu.memory_space<hbm>> -> memref<128xi32, #tpu.memory_space<hbm>>
        tpu.enqueue_dma source(%dma_start3A_58 : memref<128xi32, #tpu.memory_space<hbm>>) target(%arg7 : memref<128xi32, #tpu.memory_space<vmem>>) target_semaphore(%run_scoped3A : memref<!tpu.dma_semaphore, #tpu.memory_space<semaphore_mem>>)
        %dma_wait3A_59 = tpu.memref_slice %arg3[%add3A_52] : memref<321536xi32, #tpu.memory_space<hbm>> -> memref<128xi32, #tpu.memory_space<hbm>>
        %dma_wait3A_60 = tpu.memref_slice %arg3[%add3A_52] : memref<321536xi32, #tpu.memory_space<hbm>> -> memref<128xi32, #tpu.memory_space<hbm>>
        tpu.wait_dma2 semaphore(%run_scoped3A : memref<!tpu.dma_semaphore, #tpu.memory_space<semaphore_mem>>) src(%dma_wait3A_60 : memref<128xi32, #tpu.memory_space<hbm>>) dst(%arg7 : memref<128xi32, #tpu.memory_space<vmem>>)
        tpu.yield
      }) : () -> ()
      "tpu.region"() ({
        %run_scoped3A = tpu.sem_alloc : memref<!tpu.dma_semaphore, #tpu.memory_space<semaphore_mem>>
        %dma_start3A_57 = tpu.memref_slice %arg4[%arg0, %add3A_52] : memref<2x321536xi32, #tpu.memory_space<hbm>> -> memref<1x128xi32, #tpu.memory_space<hbm>>
        %dma_start3A_58 = tpu.memref_squeeze %dma_start3A_57 : memref<1x128xi32, #tpu.memory_space<hbm>> -> memref<128xi32, #tpu.memory_space<hbm>>
        %dma_start3A_59 = tpu.memref_slice %arg4[%arg0, %add3A_52] : memref<2x321536xi32, #tpu.memory_space<hbm>> -> memref<1x128xi32, #tpu.memory_space<hbm>>
        %dma_start3A_60 = tpu.memref_squeeze %dma_start3A_59 : memref<1x128xi32, #tpu.memory_space<hbm>> -> memref<128xi32, #tpu.memory_space<hbm>>
        tpu.enqueue_dma source(%dma_start3A_60 : memref<128xi32, #tpu.memory_space<hbm>>) target(%arg8 : memref<128xi32, #tpu.memory_space<vmem>>) target_semaphore(%run_scoped3A : memref<!tpu.dma_semaphore, #tpu.memory_space<semaphore_mem>>)
        %dma_wait3A_61 = tpu.memref_slice %arg4[%arg0, %add3A_52] : memref<2x321536xi32, #tpu.memory_space<hbm>> -> memref<1x128xi32, #tpu.memory_space<hbm>>
        %dma_wait3A_62 = tpu.memref_squeeze %dma_wait3A_61 : memref<1x128xi32, #tpu.memory_space<hbm>> -> memref<128xi32, #tpu.memory_space<hbm>>
        %dma_wait3A_63 = tpu.memref_slice %arg4[%arg0, %add3A_52] : memref<2x321536xi32, #tpu.memory_space<hbm>> -> memref<1x128xi32, #tpu.memory_space<hbm>>
        %dma_wait3A_64 = tpu.memref_squeeze %dma_wait3A_63 : memref<1x128xi32, #tpu.memory_space<hbm>> -> memref<128xi32, #tpu.memory_space<hbm>>
        tpu.wait_dma2 semaphore(%run_scoped3A : memref<!tpu.dma_semaphore, #tpu.memory_space<semaphore_mem>>) src(%dma_wait3A_64 : memref<128xi32, #tpu.memory_space<hbm>>) dst(%arg8 : memref<128xi32, #tpu.memory_space<vmem>>)
        tpu.yield
      }) : () -> ()
      %dma_start3A = arith.constant 0 : i32
      %dma_start3A_53 = arith.constant 0 : i32
      %dma_start3A_54 = tpu.memref_slice %arg2[%dma_start3A, %dma_start3A_53] : memref<20000x128xf32, #tpu.memory_space<hbm>> -> memref<20000x128xf32, #tpu.memory_space<hbm>>
      tpu.enqueue_indirect_dma source(%dma_start3A_54 : memref<20000x128xf32, #tpu.memory_space<hbm>>) target(%arg9 : memref<128x128xf32, #tpu.memory_space<vmem>>) offsets(%arg8 : memref<128xi32, #tpu.memory_space<vmem>>) semaphore(%arg14 : memref<!tpu.dma_semaphore, #tpu.memory_space<semaphore_mem>>)
      %dma_wait3A = arith.constant 0 : i32
      %dma_wait3A_55 = arith.constant 0 : i32
      %dma_wait3A_56 = tpu.memref_slice %arg2[%dma_wait3A, %dma_wait3A_55] : memref<20000x128xf32, #tpu.memory_space<hbm>> -> memref<20000x128xf32, #tpu.memory_space<hbm>>
      tpu.wait_indirect_dma semaphore(%arg14 : memref<!tpu.dma_semaphore, #tpu.memory_space<semaphore_mem>>) src(%dma_wait3A_56 : memref<20000x128xf32, #tpu.memory_space<hbm>>) dst(%arg9 : memref<128x128xf32, #tpu.memory_space<vmem>>)
      "tpu.region"() ({
        %run_scoped3A = tpu.sem_alloc : memref<!tpu.dma_semaphore, #tpu.memory_space<semaphore_mem>>
        %dma_start3A_57 = arith.constant 0 : i32
        %dma_start3A_58 = arith.constant 0 : i32
        %dma_start3A_59 = tpu.memref_slice %arg12[%dma_start3A_57, %dma_start3A_58] : memref<10240x128xf32, #tpu.memory_space<vmem_shared>> -> memref<10240x128xf32, #tpu.memory_space<vmem_shared>>
        tpu.enqueue_indirect_dma source(%arg9 : memref<128x128xf32, #tpu.memory_space<vmem>>) target(%dma_start3A_59 : memref<10240x128xf32, #tpu.memory_space<vmem_shared>>) offsets(%arg7 : memref<128xi32, #tpu.memory_space<vmem>>) semaphore(%run_scoped3A : memref<!tpu.dma_semaphore, #tpu.memory_space<semaphore_mem>>) {add = true}
        %dma_wait3A_60 = arith.constant 0 : i32
        %dma_wait3A_61 = arith.constant 0 : i32
        %dma_wait3A_62 = tpu.memref_slice %arg12[%dma_wait3A_60, %dma_wait3A_61] : memref<10240x128xf32, #tpu.memory_space<vmem_shared>> -> memref<10240x128xf32, #tpu.memory_space<vmem_shared>>
        tpu.wait_indirect_dma semaphore(%run_scoped3A : memref<!tpu.dma_semaphore, #tpu.memory_space<semaphore_mem>>) src(%arg9 : memref<128x128xf32, #tpu.memory_space<vmem>>) dst(%dma_wait3A_62 : memref<10240x128xf32, #tpu.memory_space<vmem_shared>>)
        tpu.yield
      }) : () -> ()
      "tpu.region"() ({
        %run_scoped3A = tpu.sem_alloc : memref<!tpu.dma_semaphore, #tpu.memory_space<semaphore_mem>>
        %dma_start3A_57 = arith.constant 0 : i32
        %dma_start3A_58 = tpu.memref_slice %arg13[%dma_start3A_57] : memref<10240xf32, #tpu.memory_space<vmem_shared>> -> memref<10240xf32, #tpu.memory_space<vmem_shared>>
        tpu.enqueue_indirect_dma source(%arg11 : memref<128xf32, #tpu.memory_space<vmem>>) target(%dma_start3A_58 : memref<10240xf32, #tpu.memory_space<vmem_shared>>) offsets(%arg7 : memref<128xi32, #tpu.memory_space<vmem>>) semaphore(%run_scoped3A : memref<!tpu.dma_semaphore, #tpu.memory_space<semaphore_mem>>) {add = true}
        %dma_wait3A_59 = arith.constant 0 : i32
        %dma_wait3A_60 = tpu.memref_slice %arg13[%dma_wait3A_59] : memref<10240xf32, #tpu.memory_space<vmem_shared>> -> memref<10240xf32, #tpu.memory_space<vmem_shared>>
        tpu.wait_indirect_dma semaphore(%run_scoped3A : memref<!tpu.dma_semaphore, #tpu.memory_space<semaphore_mem>>) src(%arg11 : memref<128xf32, #tpu.memory_space<vmem>>) dst(%dma_wait3A_60 : memref<10240xf32, #tpu.memory_space<vmem_shared>>)
        tpu.yield
      }) : () -> ()
    }
    %scan3A_35 = arith.constant 157 : i32
    %barrier3A_36 = arith.constant 0 : index
    tpu.barrier barrier_id(%barrier3A_36)
    %add3A_37 = arith.constant 0 : i32
    %add3A_38 = arith.addi %mul3A_18, %add3A_37 : i32
    "tpu.region"() ({
      %run_scoped3A = tpu.sem_alloc : memref<!tpu.dma_semaphore, #tpu.memory_space<semaphore_mem>>
      %dma_start3A = arith.constant 0 : i32
      %dma_start3A_49 = tpu.memref_slice %arg5[%arg0, %add3A_38, %dma_start3A] : memref<2x10240x128xf32, #tpu.memory_space<hbm>> -> memref<1x128x128xf32, #tpu.memory_space<hbm>>
      %dma_start3A_50 = tpu.memref_squeeze %dma_start3A_49 : memref<1x128x128xf32, #tpu.memory_space<hbm>> -> memref<128x128xf32, #tpu.memory_space<hbm>>
      %dma_start3A_51 = arith.constant 0 : i32
      %dma_start3A_52 = tpu.memref_slice %arg12[%add3A_38, %dma_start3A_51] : memref<10240x128xf32, #tpu.memory_space<vmem_shared>> -> memref<128x128xf32, #tpu.memory_space<vmem_shared>>
      tpu.enqueue_dma source(%dma_start3A_52 : memref<128x128xf32, #tpu.memory_space<vmem_shared>>) target(%dma_start3A_50 : memref<128x128xf32, #tpu.memory_space<hbm>>) target_semaphore(%run_scoped3A : memref<!tpu.dma_semaphore, #tpu.memory_space<semaphore_mem>>)
      %dma_wait3A = arith.constant 0 : i32
      %dma_wait3A_53 = tpu.memref_slice %arg5[%arg0, %add3A_38, %dma_wait3A] : memref<2x10240x128xf32, #tpu.memory_space<hbm>> -> memref<1x128x128xf32, #tpu.memory_space<hbm>>
      %dma_wait3A_54 = tpu.memref_squeeze %dma_wait3A_53 : memref<1x128x128xf32, #tpu.memory_space<hbm>> -> memref<128x128xf32, #tpu.memory_space<hbm>>
      %dma_wait3A_55 = arith.constant 0 : i32
      %dma_wait3A_56 = tpu.memref_slice %arg12[%add3A_38, %dma_wait3A_55] : memref<10240x128xf32, #tpu.memory_space<vmem_shared>> -> memref<128x128xf32, #tpu.memory_space<vmem_shared>>
      tpu.wait_dma2 semaphore(%run_scoped3A : memref<!tpu.dma_semaphore, #tpu.memory_space<semaphore_mem>>) src(%dma_wait3A_56 : memref<128x128xf32, #tpu.memory_space<vmem_shared>>) dst(%dma_wait3A_54 : memref<128x128xf32, #tpu.memory_space<hbm>>)
      tpu.yield
    }) : () -> ()
    %add3A_39 = arith.constant 128 : i32
    %add3A_40 = arith.addi %mul3A_18, %add3A_39 : i32
    "tpu.region"() ({
      %run_scoped3A = tpu.sem_alloc : memref<!tpu.dma_semaphore, #tpu.memory_space<semaphore_mem>>
      %dma_start3A = arith.constant 0 : i32
      %dma_start3A_49 = tpu.memref_slice %arg5[%arg0, %add3A_40, %dma_start3A] : memref<2x10240x128xf32, #tpu.memory_space<hbm>> -> memref<1x128x128xf32, #tpu.memory_space<hbm>>
      %dma_start3A_50 = tpu.memref_squeeze %dma_start3A_49 : memref<1x128x128xf32, #tpu.memory_space<hbm>> -> memref<128x128xf32, #tpu.memory_space<hbm>>
      %dma_start3A_51 = arith.constant 0 : i32
      %dma_start3A_52 = tpu.memref_slice %arg12[%add3A_40, %dma_start3A_51] : memref<10240x128xf32, #tpu.memory_space<vmem_shared>> -> memref<128x128xf32, #tpu.memory_space<vmem_shared>>
      tpu.enqueue_dma source(%dma_start3A_52 : memref<128x128xf32, #tpu.memory_space<vmem_shared>>) target(%dma_start3A_50 : memref<128x128xf32, #tpu.memory_space<hbm>>) target_semaphore(%run_scoped3A : memref<!tpu.dma_semaphore, #tpu.memory_space<semaphore_mem>>)
      %dma_wait3A = arith.constant 0 : i32
      %dma_wait3A_53 = tpu.memref_slice %arg5[%arg0, %add3A_40, %dma_wait3A] : memref<2x10240x128xf32, #tpu.memory_space<hbm>> -> memref<1x128x128xf32, #tpu.memory_space<hbm>>
      %dma_wait3A_54 = tpu.memref_squeeze %dma_wait3A_53 : memref<1x128x128xf32, #tpu.memory_space<hbm>> -> memref<128x128xf32, #tpu.memory_space<hbm>>
      %dma_wait3A_55 = arith.constant 0 : i32
      %dma_wait3A_56 = tpu.memref_slice %arg12[%add3A_40, %dma_wait3A_55] : memref<10240x128xf32, #tpu.memory_space<vmem_shared>> -> memref<128x128xf32, #tpu.memory_space<vmem_shared>>
      tpu.wait_dma2 semaphore(%run_scoped3A : memref<!tpu.dma_semaphore, #tpu.memory_space<semaphore_mem>>) src(%dma_wait3A_56 : memref<128x128xf32, #tpu.memory_space<vmem_shared>>) dst(%dma_wait3A_54 : memref<128x128xf32, #tpu.memory_space<hbm>>)
      tpu.yield
    }) : () -> ()
    %add3A_41 = arith.constant 256 : i32
    %add3A_42 = arith.addi %mul3A_18, %add3A_41 : i32
    "tpu.region"() ({
      %run_scoped3A = tpu.sem_alloc : memref<!tpu.dma_semaphore, #tpu.memory_space<semaphore_mem>>
      %dma_start3A = arith.constant 0 : i32
      %dma_start3A_49 = tpu.memref_slice %arg5[%arg0, %add3A_42, %dma_start3A] : memref<2x10240x128xf32, #tpu.memory_space<hbm>> -> memref<1x128x128xf32, #tpu.memory_space<hbm>>
      %dma_start3A_50 = tpu.memref_squeeze %dma_start3A_49 : memref<1x128x128xf32, #tpu.memory_space<hbm>> -> memref<128x128xf32, #tpu.memory_space<hbm>>
      %dma_start3A_51 = arith.constant 0 : i32
      %dma_start3A_52 = tpu.memref_slice %arg12[%add3A_42, %dma_start3A_51] : memref<10240x128xf32, #tpu.memory_space<vmem_shared>> -> memref<128x128xf32, #tpu.memory_space<vmem_shared>>
      tpu.enqueue_dma source(%dma_start3A_52 : memref<128x128xf32, #tpu.memory_space<vmem_shared>>) target(%dma_start3A_50 : memref<128x128xf32, #tpu.memory_space<hbm>>) target_semaphore(%run_scoped3A : memref<!tpu.dma_semaphore, #tpu.memory_space<semaphore_mem>>)
      %dma_wait3A = arith.constant 0 : i32
      %dma_wait3A_53 = tpu.memref_slice %arg5[%arg0, %add3A_42, %dma_wait3A] : memref<2x10240x128xf32, #tpu.memory_space<hbm>> -> memref<1x128x128xf32, #tpu.memory_space<hbm>>
      %dma_wait3A_54 = tpu.memref_squeeze %dma_wait3A_53 : memref<1x128x128xf32, #tpu.memory_space<hbm>> -> memref<128x128xf32, #tpu.memory_space<hbm>>
      %dma_wait3A_55 = arith.constant 0 : i32
      %dma_wait3A_56 = tpu.memref_slice %arg12[%add3A_42, %dma_wait3A_55] : memref<10240x128xf32, #tpu.memory_space<vmem_shared>> -> memref<128x128xf32, #tpu.memory_space<vmem_shared>>
      tpu.wait_dma2 semaphore(%run_scoped3A : memref<!tpu.dma_semaphore, #tpu.memory_space<semaphore_mem>>) src(%dma_wait3A_56 : memref<128x128xf32, #tpu.memory_space<vmem_shared>>) dst(%dma_wait3A_54 : memref<128x128xf32, #tpu.memory_space<hbm>>)
      tpu.yield
    }) : () -> ()
    %add3A_43 = arith.constant 384 : i32
    %add3A_44 = arith.addi %mul3A_18, %add3A_43 : i32
    "tpu.region"() ({
      %run_scoped3A = tpu.sem_alloc : memref<!tpu.dma_semaphore, #tpu.memory_space<semaphore_mem>>
      %dma_start3A = arith.constant 0 : i32
      %dma_start3A_49 = tpu.memref_slice %arg5[%arg0, %add3A_44, %dma_start3A] : memref<2x10240x128xf32, #tpu.memory_space<hbm>> -> memref<1x128x128xf32, #tpu.memory_space<hbm>>
      %dma_start3A_50 = tpu.memref_squeeze %dma_start3A_49 : memref<1x128x128xf32, #tpu.memory_space<hbm>> -> memref<128x128xf32, #tpu.memory_space<hbm>>
      %dma_start3A_51 = arith.constant 0 : i32
      %dma_start3A_52 = tpu.memref_slice %arg12[%add3A_44, %dma_start3A_51] : memref<10240x128xf32, #tpu.memory_space<vmem_shared>> -> memref<128x128xf32, #tpu.memory_space<vmem_shared>>
      tpu.enqueue_dma source(%dma_start3A_52 : memref<128x128xf32, #tpu.memory_space<vmem_shared>>) target(%dma_start3A_50 : memref<128x128xf32, #tpu.memory_space<hbm>>) target_semaphore(%run_scoped3A : memref<!tpu.dma_semaphore, #tpu.memory_space<semaphore_mem>>)
      %dma_wait3A = arith.constant 0 : i32
      %dma_wait3A_53 = tpu.memref_slice %arg5[%arg0, %add3A_44, %dma_wait3A] : memref<2x10240x128xf32, #tpu.memory_space<hbm>> -> memref<1x128x128xf32, #tpu.memory_space<hbm>>
      %dma_wait3A_54 = tpu.memref_squeeze %dma_wait3A_53 : memref<1x128x128xf32, #tpu.memory_space<hbm>> -> memref<128x128xf32, #tpu.memory_space<hbm>>
      %dma_wait3A_55 = arith.constant 0 : i32
      %dma_wait3A_56 = tpu.memref_slice %arg12[%add3A_44, %dma_wait3A_55] : memref<10240x128xf32, #tpu.memory_space<vmem_shared>> -> memref<128x128xf32, #tpu.memory_space<vmem_shared>>
      tpu.wait_dma2 semaphore(%run_scoped3A : memref<!tpu.dma_semaphore, #tpu.memory_space<semaphore_mem>>) src(%dma_wait3A_56 : memref<128x128xf32, #tpu.memory_space<vmem_shared>>) dst(%dma_wait3A_54 : memref<128x128xf32, #tpu.memory_space<hbm>>)
      tpu.yield
    }) : () -> ()
    %add3A_45 = arith.constant 512 : i32
    %add3A_46 = arith.addi %mul3A_18, %add3A_45 : i32
    "tpu.region"() ({
      %run_scoped3A = tpu.sem_alloc : memref<!tpu.dma_semaphore, #tpu.memory_space<semaphore_mem>>
      %dma_start3A = arith.constant 0 : i32
      %dma_start3A_49 = tpu.memref_slice %arg5[%arg0, %add3A_46, %dma_start3A] : memref<2x10240x128xf32, #tpu.memory_space<hbm>> -> memref<1x128x128xf32, #tpu.memory_space<hbm>>
      %dma_start3A_50 = tpu.memref_squeeze %dma_start3A_49 : memref<1x128x128xf32, #tpu.memory_space<hbm>> -> memref<128x128xf32, #tpu.memory_space<hbm>>
      %dma_start3A_51 = arith.constant 0 : i32
      %dma_start3A_52 = tpu.memref_slice %arg12[%add3A_46, %dma_start3A_51] : memref<10240x128xf32, #tpu.memory_space<vmem_shared>> -> memref<128x128xf32, #tpu.memory_space<vmem_shared>>
      tpu.enqueue_dma source(%dma_start3A_52 : memref<128x128xf32, #tpu.memory_space<vmem_shared>>) target(%dma_start3A_50 : memref<128x128xf32, #tpu.memory_space<hbm>>) target_semaphore(%run_scoped3A : memref<!tpu.dma_semaphore, #tpu.memory_space<semaphore_mem>>)
      %dma_wait3A = arith.constant 0 : i32
      %dma_wait3A_53 = tpu.memref_slice %arg5[%arg0, %add3A_46, %dma_wait3A] : memref<2x10240x128xf32, #tpu.memory_space<hbm>> -> memref<1x128x128xf32, #tpu.memory_space<hbm>>
      %dma_wait3A_54 = tpu.memref_squeeze %dma_wait3A_53 : memref<1x128x128xf32, #tpu.memory_space<hbm>> -> memref<128x128xf32, #tpu.memory_space<hbm>>
      %dma_wait3A_55 = arith.constant 0 : i32
      %dma_wait3A_56 = tpu.memref_slice %arg12[%add3A_46, %dma_wait3A_55] : memref<10240x128xf32, #tpu.memory_space<vmem_shared>> -> memref<128x128xf32, #tpu.memory_space<vmem_shared>>
      tpu.wait_dma2 semaphore(%run_scoped3A : memref<!tpu.dma_semaphore, #tpu.memory_space<semaphore_mem>>) src(%dma_wait3A_56 : memref<128x128xf32, #tpu.memory_space<vmem_shared>>) dst(%dma_wait3A_54 : memref<128x128xf32, #tpu.memory_space<hbm>>)
      tpu.yield
    }) : () -> ()
    %eq3A = arith.constant 0 : i32
    %eq3A_47 = arith.cmpi eq, %arg0, %eq3A : i32
    %convert_element_type3A = arith.extui %eq3A_47 : i1 to i32
    %cond3A = arith.constant 0 : i32
    %cond3A_48 = arith.cmpi ne, %convert_element_type3A, %cond3A : i32
    scf.if %cond3A_48 {
      "tpu.region"() ({
        %run_scoped3A = tpu.sem_alloc : memref<!tpu.dma_semaphore, #tpu.memory_space<semaphore_mem>>
        %dma_start3A = tpu.memref_slice %arg6[%mul3A_18] : memref<10240xf32, #tpu.memory_space<hbm>> -> memref<640xf32, #tpu.memory_space<hbm>>
        %dma_start3A_49 = tpu.memref_slice %arg13[%mul3A_18] : memref<10240xf32, #tpu.memory_space<vmem_shared>> -> memref<640xf32, #tpu.memory_space<vmem_shared>>
        tpu.enqueue_dma source(%dma_start3A_49 : memref<640xf32, #tpu.memory_space<vmem_shared>>) target(%dma_start3A : memref<640xf32, #tpu.memory_space<hbm>>) target_semaphore(%run_scoped3A : memref<!tpu.dma_semaphore, #tpu.memory_space<semaphore_mem>>)
        %dma_wait3A = tpu.memref_slice %arg6[%mul3A_18] : memref<10240xf32, #tpu.memory_space<hbm>> -> memref<640xf32, #tpu.memory_space<hbm>>
        %dma_wait3A_50 = tpu.memref_slice %arg13[%mul3A_18] : memref<10240xf32, #tpu.memory_space<vmem_shared>> -> memref<640xf32, #tpu.memory_space<vmem_shared>>
        tpu.wait_dma2 semaphore(%run_scoped3A : memref<!tpu.dma_semaphore, #tpu.memory_space<semaphore_mem>>) src(%dma_wait3A_50 : memref<640xf32, #tpu.memory_space<vmem_shared>>) dst(%dma_wait3A : memref<640xf32, #tpu.memory_space<hbm>>)
        tpu.yield
      }) : () -> ()
    } else {
    }
    return
  }
}

module attributes {stable_mosaic.version = 14 : i64} {
  func.func @_tc_loss_body(%arg0: i32, %arg1: memref<2000x128xf32, #tpu.memory_space<vmem>>, %arg2: memref<2000x128xf32, #tpu.memory_space<vmem>>, %arg3: memref<2000x128xf32, #tpu.memory_space<vmem>>, %arg4: memref<2000x128xf32, #tpu.memory_space<vmem>>, %arg5: memref<2000x1xf32, #tpu.memory_space<vmem>>, %arg6: memref<2000x1xf32, #tpu.memory_space<vmem>>, %arg7: memref<1x1xf32, #tpu.memory_space<smem>>) attributes {dimension_semantics = [#tpu.dimension_semantics<arbitrary>], iteration_bounds = array<i64: 5>, scalar_prefetch = 0 : i64, scratch_operands = 0 : i64, tpu.core_type = #tpu.core_type<tc>, window_params = [{transform_indices = @transform_0, window_bounds = array<i64: 2000, 128>}, {transform_indices = @transform_1, window_bounds = array<i64: 2000, 128>}, {transform_indices = @transform_2, window_bounds = array<i64: 2000, 128>}, {transform_indices = @transform_3, window_bounds = array<i64: 2000, 128>}, {transform_indices = @transform_4, window_bounds = array<i64: 2000, 1>}, {transform_indices = @transform_5, window_bounds = array<i64: 2000, 1>}, {transform_indices = @transform_6, window_bounds = array<i64: 1, 1>}]} {
    %get3A = arith.constant 0 : index
    %get3A_0 = arith.constant 0 : index
    %get3A_1 = vector.load %arg1[%get3A, %get3A_0] : memref<2000x128xf32, #tpu.memory_space<vmem>>, vector<2000x128xf32>
    %get3A_2 = arith.constant 0 : index
    %get3A_3 = arith.constant 0 : index
    %get3A_4 = vector.load %arg2[%get3A_2, %get3A_3] : memref<2000x128xf32, #tpu.memory_space<vmem>>, vector<2000x128xf32>
    %get3A_5 = arith.constant 0 : index
    %get3A_6 = arith.constant 0 : index
    %get3A_7 = vector.load %arg5[%get3A_5, %get3A_6] : memref<2000x1xf32, #tpu.memory_space<vmem>>, vector<2000x1xf32>
    %eq3A = arith.constant 0.000000e+00 : f32
    %eq3A_8 = vector.broadcast %eq3A : f32 to vector<2000x1xf32>
    %eq3A_9 = arith.cmpf oeq, %get3A_7, %eq3A_8 : vector<2000x1xf32>
    %jit3A = arith.constant 1.000000e+00 : f32
    %broadcast_in_dim3A = vector.broadcast %jit3A : f32 to vector<2000x1xf32>
    %select_n3A = arith.select %eq3A_9, %broadcast_in_dim3A, %get3A_7 : vector<2000x1xi1>, vector<2000x1xf32>
    %get3A_10 = arith.constant 0 : index
    %get3A_11 = arith.constant 0 : index
    %get3A_12 = vector.load %arg3[%get3A_10, %get3A_11] : memref<2000x128xf32, #tpu.memory_space<vmem>>, vector<2000x128xf32>
    %div3A = vector.broadcast %select_n3A : vector<2000x1xf32> to vector<2000x128xf32>
    %div3A_13 = arith.divf %get3A_12, %div3A : vector<2000x128xf32>
    %get3A_14 = arith.constant 0 : index
    %get3A_15 = arith.constant 0 : index
    %get3A_16 = vector.load %arg4[%get3A_14, %get3A_15] : memref<2000x128xf32, #tpu.memory_space<vmem>>, vector<2000x128xf32>
    %div3A_17 = vector.broadcast %select_n3A : vector<2000x1xf32> to vector<2000x128xf32>
    %div3A_18 = arith.divf %get3A_16, %div3A_17 : vector<2000x128xf32>
    %mul3A = arith.constant 2.500000e-01 : f32
    %mul3A_19 = vector.broadcast %mul3A : f32 to vector<2000x128xf32>
    %mul3A_20 = arith.mulf %div3A_13, %mul3A_19 : vector<2000x128xf32>
    %mul3A_21 = arith.constant 2.500000e-01 : f32
    %mul3A_22 = vector.broadcast %mul3A_21 : f32 to vector<2000x128xf32>
    %mul3A_23 = arith.mulf %div3A_18, %mul3A_22 : vector<2000x128xf32>
    %reduce_max3A = arith.constant dense<0xFF800000> : vector<2000xf32>
    %reduce_max3A_24 = vector.multi_reduction <maximumf>, %mul3A_20, %reduce_max3A [1] : vector<2000x128xf32> to vector<2000xf32>
    %broadcast_in_dim3A_25 = vector.shape_cast %reduce_max3A_24 : vector<2000xf32> to vector<2000x1xf32>
    %sub3A = vector.broadcast %broadcast_in_dim3A_25 : vector<2000x1xf32> to vector<2000x128xf32>
    %sub3A_26 = arith.subf %mul3A_20, %sub3A : vector<2000x128xf32>
    %sub3A_27 = vector.broadcast %broadcast_in_dim3A_25 : vector<2000x1xf32> to vector<2000x128xf32>
    %sub3A_28 = arith.subf %mul3A_20, %sub3A_27 : vector<2000x128xf32>
    %exp3A = math.exp %sub3A_28 : vector<2000x128xf32>
    %reduce_sum3A = arith.constant dense<0.000000e+00> : vector<2000xf32>
    %reduce_sum3A_29 = vector.multi_reduction <add>, %exp3A, %reduce_sum3A [1] : vector<2000x128xf32> to vector<2000xf32>
    %broadcast_in_dim3A_30 = vector.shape_cast %reduce_sum3A_29 : vector<2000xf32> to vector<2000x1xf32>
    %log3A = math.log %broadcast_in_dim3A_30 : vector<2000x1xf32>
    %sub3A_31 = vector.broadcast %log3A : vector<2000x1xf32> to vector<2000x128xf32>
    %sub3A_32 = arith.subf %sub3A_26, %sub3A_31 : vector<2000x128xf32>
    %reduce_max3A_33 = arith.constant dense<0xFF800000> : vector<2000xf32>
    %reduce_max3A_34 = vector.multi_reduction <maximumf>, %mul3A_23, %reduce_max3A_33 [1] : vector<2000x128xf32> to vector<2000xf32>
    %broadcast_in_dim3A_35 = vector.shape_cast %reduce_max3A_34 : vector<2000xf32> to vector<2000x1xf32>
    %sub3A_36 = vector.broadcast %broadcast_in_dim3A_35 : vector<2000x1xf32> to vector<2000x128xf32>
    %sub3A_37 = arith.subf %mul3A_23, %sub3A_36 : vector<2000x128xf32>
    %sub3A_38 = vector.broadcast %broadcast_in_dim3A_35 : vector<2000x1xf32> to vector<2000x128xf32>
    %sub3A_39 = arith.subf %mul3A_23, %sub3A_38 : vector<2000x128xf32>
    %exp3A_40 = math.exp %sub3A_39 : vector<2000x128xf32>
    %reduce_sum3A_41 = arith.constant dense<0.000000e+00> : vector<2000xf32>
    %reduce_sum3A_42 = vector.multi_reduction <add>, %exp3A_40, %reduce_sum3A_41 [1] : vector<2000x128xf32> to vector<2000xf32>
    %broadcast_in_dim3A_43 = vector.shape_cast %reduce_sum3A_42 : vector<2000xf32> to vector<2000x1xf32>
    %log3A_44 = math.log %broadcast_in_dim3A_43 : vector<2000x1xf32>
    %sub3A_45 = vector.broadcast %log3A_44 : vector<2000x1xf32> to vector<2000x128xf32>
    %sub3A_46 = arith.subf %sub3A_37, %sub3A_45 : vector<2000x128xf32>
    %exp3A_47 = math.exp %sub3A_46 : vector<2000x128xf32>
    %sub3A_48 = arith.subf %sub3A_46, %sub3A_32 : vector<2000x128xf32>
    %mul3A_49 = arith.mulf %exp3A_47, %sub3A_48 : vector<2000x128xf32>
    %reduce_sum3A_50 = arith.constant dense<0.000000e+00> : vector<2000xf32>
    %reduce_sum3A_51 = vector.multi_reduction <add>, %mul3A_49, %reduce_sum3A_50 [1] : vector<2000x128xf32> to vector<2000xf32>
    %broadcast_in_dim3A_52 = vector.shape_cast %reduce_sum3A_51 : vector<2000xf32> to vector<2000x1xf32>
    %mul3A_53 = arith.constant 1.600000e+01 : f32
    %mul3A_54 = vector.broadcast %mul3A_53 : f32 to vector<2000x1xf32>
    %mul3A_55 = arith.mulf %broadcast_in_dim3A_52, %mul3A_54 : vector<2000x1xf32>
    %sub3A_56 = arith.subf %get3A_1, %get3A_4 : vector<2000x128xf32>
    %sub3A_57 = arith.subf %div3A_13, %div3A_18 : vector<2000x128xf32>
    %sub3A_58 = arith.subf %sub3A_56, %sub3A_57 : vector<2000x128xf32>
    %mul3A_59 = arith.mulf %sub3A_58, %sub3A_58 : vector<2000x128xf32>
    %reduce_sum3A_60 = arith.constant dense<0.000000e+00> : vector<2000xf32>
    %reduce_sum3A_61 = vector.multi_reduction <add>, %mul3A_59, %reduce_sum3A_60 [1] : vector<2000x128xf32> to vector<2000xf32>
    %broadcast_in_dim3A_62 = vector.shape_cast %reduce_sum3A_61 : vector<2000xf32> to vector<2000x1xf32>
    %mul3A_63 = arith.constant 1.562500e-02 : f32
    %mul3A_64 = vector.broadcast %mul3A_63 : f32 to vector<2000x1xf32>
    %mul3A_65 = arith.mulf %broadcast_in_dim3A_62, %mul3A_64 : vector<2000x1xf32>
    %get3A_66 = arith.constant 0 : index
    %get3A_67 = arith.constant 0 : index
    %get3A_68 = vector.load %arg6[%get3A_66, %get3A_67] : memref<2000x1xf32, #tpu.memory_space<vmem>>, vector<2000x1xf32>
    %mul3A_69 = arith.mulf %get3A_68, %mul3A_55 : vector<2000x1xf32>
    %sub3A_70 = arith.constant 1.000000e+00 : f32
    %sub3A_71 = vector.broadcast %sub3A_70 : f32 to vector<2000x1xf32>
    %sub3A_72 = arith.subf %sub3A_71, %get3A_68 : vector<2000x1xf32>
    %mul3A_73 = arith.mulf %sub3A_72, %mul3A_65 : vector<2000x1xf32>
    %add3A = arith.addf %mul3A_69, %mul3A_73 : vector<2000x1xf32>
    %reduce_sum3A_74 = vector.shape_cast %add3A : vector<2000x1xf32> to vector<1x2000x1xf32>
    %reduce_sum3A_75 = arith.constant dense<0.000000e+00> : vector<1xf32>
    %reduce_sum3A_76 = vector.multi_reduction <add>, %reduce_sum3A_74, %reduce_sum3A_75 [1, 2] : vector<1x2000x1xf32> to vector<1xf32>
    %reduce_sum3A_77 = vector.shape_cast %reduce_sum3A_76 : vector<1xf32> to vector<1x1x1xf32>
    %reduce_sum3A_78 = vector.extract %reduce_sum3A_77[0, 0, 0] : f32 from vector<1x1x1xf32>
    %mul3A_79 = arith.constant 9.99999974E-5 : f32
    %mul3A_80 = arith.mulf %reduce_sum3A_78, %mul3A_79 : f32
    %eq3A_81 = arith.constant 0 : i32
    %eq3A_82 = arith.cmpi eq, %arg0, %eq3A_81 : i32
    %convert_element_type3A = arith.extui %eq3A_82 : i1 to i32
    %cond3A = arith.constant 0 : i32
    %cond3A_83 = arith.cmpi ne, %convert_element_type3A, %cond3A : i32
    scf.if %cond3A_83 {
      %swap3A = arith.constant 0 : index
      %swap3A_88 = arith.constant 0 : index
      %swap3A_89 = memref.load %arg7[%swap3A, %swap3A_88] : memref<1x1xf32, #tpu.memory_space<smem>>
      memref.store %mul3A_80, %arg7[%swap3A, %swap3A_88] : memref<1x1xf32, #tpu.memory_space<smem>>
    } else {
    }
    %ne3A = arith.constant 0 : i32
    %ne3A_84 = arith.cmpi ne, %arg0, %ne3A : i32
    %convert_element_type3A_85 = arith.extui %ne3A_84 : i1 to i32
    %cond3A_86 = arith.constant 0 : i32
    %cond3A_87 = arith.cmpi ne, %convert_element_type3A_85, %cond3A_86 : i32
    scf.if %cond3A_87 {
      %get3A_88 = arith.constant 0 : index
      %get3A_89 = arith.constant 0 : index
      %get3A_90 = memref.load %arg7[%get3A_88, %get3A_89] : memref<1x1xf32, #tpu.memory_space<smem>>
      %add3A_91 = arith.addf %get3A_90, %mul3A_80 : f32
      %swap3A = arith.constant 0 : index
      %swap3A_92 = arith.constant 0 : index
      %swap3A_93 = memref.load %arg7[%swap3A, %swap3A_92] : memref<1x1xf32, #tpu.memory_space<smem>>
      memref.store %add3A_91, %arg7[%swap3A, %swap3A_92] : memref<1x1xf32, #tpu.memory_space<smem>>
    } else {
    }
    return
  }
  func.func @transform_0(%arg0: i32) -> (i32, i32) {
    %c0_i32 = arith.constant 0 : i32
    %c0_i32_0 = arith.constant 0 : i32
    return %arg0, %c0_i32 : i32, i32
  }
  func.func @transform_1(%arg0: i32) -> (i32, i32) {
    %c0_i32 = arith.constant 0 : i32
    %c0_i32_0 = arith.constant 0 : i32
    return %arg0, %c0_i32 : i32, i32
  }
  func.func @transform_2(%arg0: i32) -> (i32, i32) {
    %c0_i32 = arith.constant 0 : i32
    %c0_i32_0 = arith.constant 0 : i32
    return %arg0, %c0_i32 : i32, i32
  }
  func.func @transform_3(%arg0: i32) -> (i32, i32) {
    %c0_i32 = arith.constant 0 : i32
    %c0_i32_0 = arith.constant 0 : i32
    return %arg0, %c0_i32 : i32, i32
  }
  func.func @transform_4(%arg0: i32) -> (i32, i32) {
    %c0_i32 = arith.constant 0 : i32
    %c0_i32_0 = arith.constant 0 : i32
    return %arg0, %c0_i32 : i32, i32
  }
  func.func @transform_5(%arg0: i32) -> (i32, i32) {
    %c0_i32 = arith.constant 0 : i32
    %c0_i32_0 = arith.constant 0 : i32
    return %arg0, %c0_i32 : i32, i32
  }
  func.func @transform_6(%arg0: i32) -> (i32, i32) {
    %c0_i32 = arith.constant 0 : i32
    %c0_i32_0 = arith.constant 0 : i32
    %c0_i32_1 = arith.constant 0 : i32
    return %c0_i32, %c0_i32_0 : i32, i32
  }
}

</mosaic_0001>

<sc_bundles>
// kernel: kernel.4.cloned.1.call-start
scs
__scs_entry_jumppad:
0x0: {  	(pc) =	sbr.rel $0x88, $3  }
0x1: {  	(tag) =	ssettag $0x0;
	lr =	simm.s32 $0x1  }
0x2: {  	[smem:$0x3F9D] =	sst lr;
	_ =	strace $0xD0000000  }
0x3: {  	_ = 	snop  }
0x4: {  	_ = 	snop  }
0x5: {  	_ = 	snop  }
0x6: {  	_ = 	snop  }
0x7: {  	_ = 	snop  }
__scs_overlays_trampoline_lowered:
0x8: {  	[smem:$0x3FAC] =	sst s0  }
0x9: {  	[smem:$0x3FAD] =	sst s1  }
0xa: {  	[smem:$0x3FAE] =	sst s2  }
0xb: {  	[smem:$0x3FAF] =	sst s3  }
0xc: {  	[smem:$0x3FB0] =	sst s4  }
0xd: {  	[smem:$0x3FB1] =	sst s5  }
0xe: {  	[smem:$0x3FB2] =	sst s6  }
0xf: {  	[smem:$0x3FB3] =	sst s7  }
0x10: {  	[smem:$0x3FB4] =	sst s8  }
0x11: {  	[smem:$0x3FB5] =	sst s9;
	s0 =	simm.s32 @!p0 $0x0  }
0x12: {  	s1 =	sld [smem:$0x3F9B];
	s0 =	simm.s32 @p0 $0x1  }
0x13: {  	[smem:$0x3FB6] =	sst s0;
	s0 =	simm.s32 @!p1 $0x0  }
0x14: {  	s2 =	sld [smem:$0x3F9A];
	s0 =	simm.s32 @p1 $0x1  }
0x15: {  	[smem:$0x3FB7] =	sst s0;
	s0 =	simm.s32 @!p2 $0x0  }
0x16: {  	s3 =	sld [smem:$0x3FDB];
	s0 =	simm.s32 @p2 $0x1  }
0x17: {  	s4 =	simm.s32 $0x1BF5;
	[smem:$0x3FB9] =	sst s0  }
0x18: {  	s0 =	sld [smem:$0x3F9C];
	_ =	swait.ge [sflag:s4], $0x0  }
0x19: {  	s7 =	sld [smem:$0x3F9D]  }
0x1a: {  	s8 =	sadd.s32 $0xFFFFE003, lr  }
0x1b: {  	s9 =	sadd.s32 $0xFFFFFEF7, lr;
	s5 =	simm.s32 $0xFFFFFFFF;
	p2 =	slt.u32 s8, $0xFFFFF086  }
0x1c: {  	p1 =	slt.u32 s9, $0xF7A;
	s5 =	simm.s32 @!p2 $0x0  }
0x1d: {  	s5 =	simm.s32 @p1 $0x1;
	p0 =	seq.s32 s7, s2  }
0x1e: {  	s7 =	smul.u32 @!p0 $0xF7A, s2;
	p2 =	seq.s32 @!p0 s5, $0x0  }
0x1f: {  	s9 =	smul.u32 $0xF7A, s1;
	s8 =	simm.s32 @!p0 $0x1BF5;
	p2 =	por !p2, p0  }
0x20: {  	[sflag:s8] =	ssyncset.s32 @!p0 $0xFFFFF086;
	s6 =	sadd.s32 @!p0 s3, s7;
	s7 =	simm.s32 @!p0 $0x108  }
0x21: {  	s3 =	sadd.s32 s3, s9;
	s6 =	sadd.s32 @!p0 $0x88, s6;
	s7 =	simm.s32 @p2 $0x1082  }
0x22: {  	[simem:s7], [sflag:s8] =	dma.local @!p0 [hbm:s6], $0xF7A  }
0x23: {  	s9 =	sor.u32 $0xD0000000, s2;
	s6 =	simm.s32 $0x108;
	_ =	swait.ge @!p0 [sflag:s8], $0x0  }
0x24: {  	s3 =	sadd.s32 $0x88, s3;
	s6 =	simm.s32 @!p1 $0x1082;
	[sflag:s4] =	ssyncset.s32 $0xFFFFF086  }
0x25: {  	[simem:s6], [sflag:s4] =	dma.local [hbm:s3], $0xF7A  }
0x26: {  	[smem:$0x3F9D] =	sst s1;
	(tag) =	ssettag s2;
	_ =	strace s9  }
0x27: {  	s1 =	sld [smem:$0x3FAD]  }
0x28: {  	s2 =	sld [smem:$0x3FAE]  }
0x29: {  	s4 =	sld [smem:$0x3FB0]  }
0x2a: {  	p0 =	seq.s32 s5, $0x0;
	s5 =	sld [smem:$0x3FB1]  }
0x2b: {  	s6 =	sld [smem:$0x3FB2]  }
0x2c: {  	s7 =	sld [smem:$0x3FB3]  }
0x2d: {  	s3 =	simm.s32 $0x108;
	s8 =	sld [smem:$0x3FB4]  }
0x2e: {  	s3 =	simm.s32 @!p0 $0x1082;
	s9 =	sld [smem:$0x3FB5]  }
0x2f: {  	lr =	sadd.s32 s0, s3;
	s0 =	sld [smem:$0x3FAC]  }
0x30: {  	s3 =	sld [smem:$0x3FAF]  }
0x31: {  	[smem:$0x3FB8] =	sst s10  }
0x32: {  	s10 =	sld [smem:$0x3FB6];
	_ =	sdelay $0x3  }
0x33: {  	p0 =	seq.s32 s10, $0x1;
	s10 =	sld [smem:$0x3FB8];
	_ =	sdelay $0x3  }
0x34: {  	[smem:$0x3FB8] =	sst s10  }
0x35: {  	s10 =	sld [smem:$0x3FB7];
	_ =	sdelay $0x3  }
0x36: {  	p1 =	seq.s32 s10, $0x1;
	s10 =	sld [smem:$0x3FB8];
	_ =	sdelay $0x3  }
0x37: {  	[smem:$0x3FB8] =	sst s10  }
0x38: {  	s10 =	sld [smem:$0x3FB9]  }
0x39: {  	_ = 	snop;
	(pc) =	sbr.ind lr, $3  }
0x3a: {  	_ = 	snop  }
0x3b: {  	_ = 	snop  }
0x3c: {  	p2 =	seq.s32 s10, $0x1;
	s10 =	sld [smem:$0x3FB8]  }
0x3d: {  	_ =	shalt  }
0x3e: {  	_ =	shalt  }
0x3f: {  	_ =	shalt  }
0x40: {  	_ =	shalt  }
0x41: {  	_ =	shalt  }
0x42: {  	_ =	shalt  }
0x43: {  	_ =	shalt  }
0x44: {  	_ =	shalt  }
0x45: {  	_ =	shalt  }
0x46: {  	_ =	shalt  }
0x47: {  	_ =	shalt  }
0x48: {  	_ =	shalt  }
0x49: {  	_ =	shalt  }
0x4a: {  	_ =	shalt  }
0x4b: {  	_ =	shalt  }
0x4c: {  	_ =	shalt  }
0x4d: {  	_ =	shalt  }
0x4e: {  	_ =	shalt  }
0x4f: {  	_ =	shalt  }
0x50: {  	_ =	shalt  }
0x51: {  	_ =	shalt  }
0x52: {  	_ =	shalt  }
0x53: {  	_ =	shalt  }
0x54: {  	_ =	shalt  }
0x55: {  	_ =	shalt  }
0x56: {  	_ =	shalt  }
0x57: {  	_ =	shalt  }
0x58: {  	_ =	shalt  }
0x59: {  	_ =	shalt  }
0x5a: {  	_ =	shalt  }
0x5b: {  	_ =	shalt  }
0x5c: {  	_ =	shalt  }
0x5d: {  	_ =	shalt  }
0x5e: {  	_ =	shalt  }
0x5f: {  	_ =	shalt  }
0x60: {  	_ =	shalt  }
0x61: {  	_ =	shalt  }
0x62: {  	_ =	shalt  }
0x63: {  	_ =	shalt  }
0x64: {  	_ =	shalt  }
0x65: {  	_ =	shalt  }
0x66: {  	_ =	shalt  }
0x67: {  	_ =	shalt  }
0x68: {  	_ =	shalt  }
0x69: {  	_ =	shalt  }
0x6a: {  	_ =	shalt  }
0x6b: {  	_ =	shalt  }
0x6c: {  	_ =	shalt  }
0x6d: {  	_ =	shalt  }
0x6e: {  	_ =	shalt  }
0x6f: {  	_ =	shalt  }
0x70: {  	_ =	shalt  }
0x71: {  	_ =	shalt  }
0x72: {  	_ =	shalt  }
0x73: {  	_ =	shalt  }
0x74: {  	_ =	shalt  }
0x75: {  	_ =	shalt  }
0x76: {  	_ =	shalt  }
0x77: {  	_ =	shalt  }
0x78: {  	_ =	shalt  }
0x79: {  	_ =	shalt  }
0x7a: {  	_ =	shalt  }
0x7b: {  	_ =	shalt  }
0x7c: {  	_ =	shalt  }
0x7d: {  	_ =	shalt  }
0x7e: {  	_ =	shalt  }
0x7f: {  	_ =	shalt  }
0x80: {  	_ =	shalt  }
0x81: {  	_ =	shalt  }
0x82: {  	_ =	shalt  }
0x83: {  	_ =	shalt  }
0x84: {  	_ =	shalt  }
0x85: {  	_ =	shalt  }
0x86: {  	_ =	shalt  }
0x87: {  	_ =	shalt  }
.Lfunc_end0:
.L_simem_size_0:
called_computation_lowered:
.L_overlay_start_0:
0x88: {  	s2 =	sld [smem:$0x3FD9]  }
0x89: {  	s3 =	sld [smem:$0x3FFE];
	_ =	sdelay $0x1  }
0x8a: {  	s1 =	srdreg.scid  }
0x8b: {  	s0 =	sand.u32 $0x1, s1  }
0x8c: {  	s16 =	sshll.u32 s0, $0xA;
	s2 =	sadd.s32 s3, s2  }
0x8d: {  	s2 =	sadd.s32 s2, s16  }
0x8e: {  	[smem:$0x3FC4] =	sst s2  }
0x8f: {  	_ = 	snop  }
0x90: {  	(tm) =	ssettm $0x1  }
0x91: {  	s17 =	sld [smem:$0x3FFB];
	_ =	sdelay $0x3  }
0x92: {  	_ =	strace s17  }
0x93: {  	s2 =	sld [smem:$0x3FFC];
	_ =	sdelay $0x3  }
0x94: {  	_ =	strace s2  }
0x95: {  	s2 =	sld [smem:$0x3FFD];
	_ =	sdelay $0x3  }
0x96: {  	_ =	strace s2  }
0x97: {  	_ =	strace $0x8FFFFFFF  }
0x98: {  	s18 =	sld [smem:$0x3FDB];
	_ =	sdelay $0x1  }
0x99: {  	s19 =	simm.s32 $_scs_section_size  }
0x9a: {  	s4 =	simm.s32 $_size__tile_overlayer_lowered;
	s5 =	simm.s32 $_tile_overlayer_lowered  }
0x9b: {  	s22 =	simm.s32 $0x1BFF;
	s21 =	sshll.u32 s5, $0x1;
	s2 =	sadd.s32 s19, s18  }
0x9c: {  	s6 =	simm.s32 $0x0;
	s20 =	sshll.u32 s4, $0x1;
	s4 =	sadd.s32 s21, s2  }
0x9d: {  	[timem:s6], [sflag:s22] =	dma.local [hbm:s4], s20  }
0x9e: {  	_ =	swait.ge [sflag:s22], s20  }
0x9f: {  	s3 =	ssub.s32 $0x0, s20;
	[sflag:s22] =	ssyncset.done $0x0  }
0xa0: {  	[sflag:s22] =	ssyncadd.s32 s3;
	_ =	sdelay $0x1  }
0xa1: {  	s23 =	simm.s32 $0x1B8B  }
0xa2: {  	_ =	swait.ge [sflag:s23], $0x1  }
0xa3: {  	[sflag:s23] =	ssyncset.done $0x0  }
0xa4: {  	s25 =	simm.s32 $0x1B8E;
	s24 =	sld [smem:$0x3FFE];
	[sflag:s23] =	ssyncadd.s32 $0xFFFFFFFF  }
0xa5: {  	s26 =	simm.s32 $execute0_lowered;
	[smem:$0x3FD2] =	sst s25  }
0xa6: {  	s4 =	sshll.u32 s26, $0x1;
	_ =	strace $0x80000046;
	[dreg:$0x1] =	wrdreg $0xFFFFFFFF  }
0xa7: {  	s28 =	simm.s32 $_size_execute0_lowered;
	s2 =	sadd.s32 s2, s4;
	[dreg:$0x0] =	wrdreg $0x0  }
0xa8: {  	s4 =	sshll.u32 s28, $0x1;
	[dreg:$0x2] =	wrdreg s2  }
0xa9: {  	[dreg:$0x3] =	wrdreg s4  }
0xaa: {  	[dreg:$0x4] =	wrdreg $0xC0  }
0xab: {  	_ =	task [dreg:s6], $0x5FFFF  }
0xac: {  	[dreg:$0x1] =	wrdreg $0xFFFFFFFF  }
0xad: {  	[dreg:$0x0] =	wrdreg $0x60  }
0xae: {  	[dreg:$0x2] =	wrdreg s24  }
0xaf: {  	[dreg:$0x3] =	wrdreg $0x44000  }
0xb0: {  	[dreg:$0x4] =	wrdreg $0x184000  }
0xb1: {  	[dreg:$0x5] =	wrdreg $0x9  }
0xb2: {  	_ =	task.clear_ibuf [dreg:s6], $0x6FFFF;
	_ =	strace $0x90000046  }
0xb3: {  	s29 =	simm.s32 $0x9;
	_ =	strace $0x80000048  }
0xb4: {  	_ =	swait.ge [sflag:s29], $0x1  }
0xb5: {  	[sflag:s29] =	ssyncadd.s32 $0xFFFFFFFF  }
0xb6: {  	_ =	strace $0x90000048  }
0xb7: {  	_ =	sfence  }
0xb8: {  	s30 =	sld [smem:$0x0];
	_ =	sdelay $0x2  }
0xb9: {  	s31 =	sshll.u32 s1, $0xD;
	s1 =	sshrl.u32 s1, $0x2  }
0xba: {  	s3 =	sand.u32 $0x4000, s31;
	s1 =	sadd.s32 s1, s30  }
0xbb: {  	s0 =	sor.u32 s3, s0;
	s1 =	sshll.u32 s1, $0x11  }
0xbc: {  	s0 =	sor.u32 s1, s0  }
0xbd: {  	s0 =	sadd.s32 $0x8F2B, s0  }
0xbe: {  	[sflag:s0] =	ssyncadd.remote.s32 $0x1  }
0xbf: {  	_ =	sfence.sel $0xFFFF  }
0xc0: {  	[dreg:$0x0] =	wrdreg $0xFFFFFFFF;
	(pc) =	sbr.abs _section_cstart, $3  }
0xc1: {  	[dreg:$0x1] =	wrdreg $0xFFFFFFFF  }
0xc2: {  	_ =	task.clear_ibuf [dreg:s6], $0x2FFFF;
	_ =	strace $0x9FFFFFFF  }
0xc3: {  	(tm) =	ssettm $0x7FFFFFFF  }
tec
execute0_lowered:
.L_overlay_start_1:
0x0: {  	(tag) =	ssettag $0x1  }
0x1: {  	s6 =	rddreg [dreg:$0x0]  }
0x2: {  	s2 =	rddreg [dreg:$0x1];
	s0 =	stileid.u32  }
0x3: {  	s3 =	rddreg [dreg:$0x2];
	s7 =	smul.u32 $0x9D0, s0  }
0x4: {  	s4 =	simm.s32 $0x0;
	s25 =	srdreg.scid;
	s8 =	smul.u32 $0x13A0, s0  }
0x5: {  	s28 =	simm.s32 $0x0;
	[smem:$0x7FF] =	sst s4;
	s11 =	smul.u32 $0x280, s0  }
0x6: {  	s5 =	sadd.s32 $0x1EA00, s6;
	s25 =	sand.u32 $0x1, s25;
	s29 =	smul.u32 $0x50000, s0  }
0x7: {  	s16 =	sadd.s32 $0x6CC00, s6;
	s13 =	smul.u32 $0x14000, s0;
	_ =	strace $0x80000047  }
0x8: {  	s30 =	ssub.s32 $0x2, s25;
	s15 =	smul.u32 $0x140000, s25;
	s23 =	sshll.u32 s25, $0x4  }
0x9: {  	p0 =	sne.s32 s25, $0x0;
	s25 =	simm.s32 $0x1;
	s19 =	sadd.s32 s7, s6  }
0xa: {  	s20 =	sadd.s32 s8, s6;
	s26 =	sshrl.u32 s11, $0x3;
	s31 =	sshrl.u32 s30, $0x1  }
0xb: {  	s7 =	sshrl.u32 s29, $0x2;
	s9 =	sshll.u32 s11, $0x7;
	s11 =	sadd.s32 s11, s3  }
0xc: {  	s17 =	sadd.s32 s26, s6;
	s18 =	ssub.s32 s30, s31;
	s6 =	sadd.s32 s7, s2  }
0xd: {  	s12 =	sadd.s32 $0x4000, s9;
	s14 =	sadd.s32 $0x8000, s9;
	s21 =	sadd.s32 $0xC000, s9  }
0xe: {  	s22 =	sadd.s32 $0x10000, s9;
	s13 =	sadd.s32 s13, s15;
	s19 =	sadd.s32 $0x14C00, s19  }
0xf: {  	s20 =	sadd.s32 s23, s20;
	s23 =	simm.s32 $0x4100;
	s26 =	simm.s32 $0x4380  }
0x10: {  	s7 =	sadd.s32 s12, s2;
	s8 =	sadd.s32 s14, s2;
	s9 =	sadd.s32 s21, s2  }
0x11: {  	s10 =	sadd.s32 s22, s2;
	s12 =	sadd.s32 s15, s12;
	s13 =	sshrl.u32 s13, $0x3  }
0x12: {  	s14 =	sadd.s32 s15, s14;
	s21 =	sadd.s32 s15, s21;
	s15 =	sadd.s32 s15, s22  }
0x13: {  	s17 =	sadd.s32 $0xBCC00, s17;
	s18 =	smax.u32 s18, $0x1;
	s20 =	sadd.s32 $0x1200, s20  }
0x14: {  	s24 =	sshrl.u32 s12, $0x3;
	s12 =	sadd.s32 s16, s13;
	s14 =	sshrl.u32 s14, $0x3  }
0x15: {  	s21 =	sshrl.u32 s21, $0x3;
	s22 =	sshrl.u32 s15, $0x3;
	s13 =	sadd.s32 s16, s24  }
0x16: {  	s14 =	sadd.s32 s16, s14;
	s15 =	sadd.s32 s16, s21;
	s16 =	sadd.s32 s16, s22  }
0x17: {  	v0 =	vimm.f32 $0.0e+00;
	v1 =	vimm.f32 $1.000000000e+00;
	s21 =	simm.s32 $0x100;
	s22 =	simm.s32 $0x2;
	s24 =	simm.s32 $0x80  }
.LBB2_1:
0x18: {  	s29 =	simm.s32 $0x0;
	s30 =	simm.s32 $0x200  }
.LBB2_2:
0x19: {  	p1 =	sne.s32 s30, $0xFE00;
	[tilespmem:s29+$0x170] =	vst v0  }
0x1a: {  	[tilespmem:s29+$0x100] =	vst v0  }
0x1b: {  	[tilespmem:s29+$0x110] =	vst v0  }
.Ltmp0:
0x1c: {  	[tilespmem:s29+$0x120] =	vst v0;
	(pc) =	sbr.rel @p1 .LBB2_2-.Ltmp0, $4  }
0x1d: {  	[tilespmem:s29+$0x130] =	vst v0  }
0x1e: {  	[tilespmem:s29+$0x140] =	vst v0  }
0x1f: {  	[tilespmem:s29+$0x150] =	vst v0  }
0x20: {  	[tilespmem:s29+$0x160] =	vst v0;
	s29 =	sshra.s32 s30, $0x2;
	s30 =	sadd.s32 $0x200, s30  }
0x21: {  	[tilespmem:s29+$0x170] =	vst v0  }
0x22: {  	[tilespmem:s29+$0x100] =	vst v0  }
0x23: {  	[tilespmem:s29+$0x110] =	vst v0  }
0x24: {  	[tilespmem:s29+$0x120] =	vst v0  }
0x25: {  	[tilespmem:s29+$0x130] =	vst v0  }
0x26: {  	[tilespmem:s29+$0x140] =	vst v0  }
0x27: {  	[tilespmem:s29+$0x150] =	vst v0  }
0x28: {  	[tilespmem:s29+$0x160] =	vst v0  }
0x29: {  	[tilespmem:$0x4100] =	vst v0  }
0x2a: {  	[tilespmem:$0x4110] =	vst v0  }
0x2b: {  	[tilespmem:$0x4120] =	vst v0  }
0x2c: {  	[tilespmem:$0x4130] =	vst v0  }
0x2d: {  	[tilespmem:$0x4140] =	vst v0  }
0x2e: {  	[tilespmem:$0x4150] =	vst v0  }
0x2f: {  	[tilespmem:$0x4160] =	vst v0  }
0x30: {  	[tilespmem:$0x4170] =	vst v0  }
0x31: {  	[tilespmem:$0x4180] =	vst v0  }
0x32: {  	[tilespmem:$0x4190] =	vst v0  }
0x33: {  	[tilespmem:$0x41A0] =	vst v0  }
0x34: {  	[tilespmem:$0x41B0] =	vst v0  }
0x35: {  	[tilespmem:$0x41C0] =	vst v0  }
0x36: {  	[tilespmem:$0x41D0] =	vst v0  }
0x37: {  	[tilespmem:$0x41E0] =	vst v0  }
0x38: {  	[tilespmem:$0x41F0] =	vst v0  }
0x39: {  	[tilespmem:$0x4200] =	vst v0  }
0x3a: {  	[tilespmem:$0x4210] =	vst v0  }
0x3b: {  	[tilespmem:$0x4220] =	vst v0  }
0x3c: {  	[tilespmem:$0x4230] =	vst v0  }
0x3d: {  	[tilespmem:$0x4240] =	vst v0  }
0x3e: {  	[tilespmem:$0x4250] =	vst v0  }
0x3f: {  	[tilespmem:$0x4260] =	vst v0  }
0x40: {  	[tilespmem:$0x4270] =	vst v0  }
0x41: {  	[tilespmem:$0x4280] =	vst v0  }
0x42: {  	[tilespmem:$0x4290] =	vst v0  }
0x43: {  	[tilespmem:$0x42A0] =	vst v0  }
0x44: {  	[tilespmem:$0x42B0] =	vst v0  }
0x45: {  	[tilespmem:$0x42C0] =	vst v0  }
0x46: {  	[tilespmem:$0x42D0] =	vst v0  }
0x47: {  	[tilespmem:$0x42E0] =	vst v0  }
0x48: {  	[tilespmem:$0x42F0] =	vst v0  }
0x49: {  	[tilespmem:$0x4300] =	vst v0  }
0x4a: {  	[tilespmem:$0x4310] =	vst v0  }
0x4b: {  	[tilespmem:$0x4320] =	vst v0  }
0x4c: {  	[tilespmem:$0x4330] =	vst v0  }
0x4d: {  	[tilespmem:$0x4340] =	vst v0  }
0x4e: {  	[tilespmem:$0x4350] =	vst v0  }
0x4f: {  	[tilespmem:$0x4360] =	vst v0  }
0x50: {  	[tilespmem:$0x4370] =	vst v0  }
0x51: {  	[tilespmem:$0x4380] =	vst v1  }
0x52: {  	[tilespmem:$0x4390] =	vst v1  }
0x53: {  	[tilespmem:$0x43A0] =	vst v1  }
0x54: {  	[tilespmem:$0x43B0] =	vst v1  }
0x55: {  	[tilespmem:$0x43C0] =	vst v1  }
0x56: {  	[tilespmem:$0x43D0] =	vst v1  }
0x57: {  	[tilespmem:$0x43E0] =	vst v1  }
0x58: {  	[tilespmem:$0x43F0] =	vst v1  }
0x59: {  	[spmem:s6] =	stream.linear.scatter [tilespmem:s21], [sflag:$0x2], $0x4000, $0x38;
	[tilespmem:$0x18680] =	vst v63  }
0x5a: {  	_ =	swait.ge [sflag:s22], $0x4000  }
0x5b: {  	[sflag:s22] =	ssyncset.done $0x0  }
0x5c: {  	[sflag:s22] =	ssyncadd.s32 $0xFFFFC000  }
0x5d: {  	[spmem:s7] =	stream.linear.scatter [tilespmem:s21], [sflag:$0x2], $0x4000, $0x38;
	[tilespmem:$0x18680] =	vst v63  }
0x5e: {  	_ =	swait.ge [sflag:s22], $0x4000  }
0x5f: {  	[sflag:s22] =	ssyncset.done $0x0  }
0x60: {  	[sflag:s22] =	ssyncadd.s32 $0xFFFFC000  }
0x61: {  	[spmem:s8] =	stream.linear.scatter [tilespmem:s21], [sflag:$0x2], $0x4000, $0x38;
	[tilespmem:$0x18680] =	vst v63  }
0x62: {  	_ =	swait.ge [sflag:s22], $0x4000  }
0x63: {  	[sflag:s22] =	ssyncset.done $0x0  }
0x64: {  	[sflag:s22] =	ssyncadd.s32 $0xFFFFC000  }
0x65: {  	[spmem:s9] =	stream.linear.scatter [tilespmem:s21], [sflag:$0x2], $0x4000, $0x38;
	[tilespmem:$0x18680] =	vst v63  }
0x66: {  	_ =	swait.ge [sflag:s22], $0x4000  }
0x67: {  	[sflag:s22] =	ssyncset.done $0x0  }
0x68: {  	[sflag:s22] =	ssyncadd.s32 $0xFFFFC000  }
0x69: {  	[spmem:s10] =	stream.linear.scatter [tilespmem:s21], [sflag:$0x2], $0x4000, $0x38;
	[tilespmem:$0x18680] =	vst v63  }
0x6a: {  	_ =	swait.ge [sflag:s22], $0x4000  }
0x6b: {  	[sflag:s22] =	ssyncset.done $0x0  }
0x6c: {  	[sflag:s22] =	ssyncadd.s32 $0xFFFFC000  }
0x6d: {  	[spmem:s11] =	stream.linear.scatter [tilespmem:s23], [sflag:$0x2], $0x280, $0x38;
	[tilespmem:$0x18680] =	vst v63  }
0x6e: {  	_ =	swait.ge [sflag:s22], $0x280  }
0x6f: {  	[sflag:s22] =	ssyncset.done $0x0  }
0x70: {  	[sflag:s22] =	ssyncadd.s32 $0xFFFFFD80  }
0x71: {  	s29 =	sadd.s32 $0x0, s19;
	[bflag:$0x0] =	sbarrier.arrive $0xFFFF  }
0x72: {  	[tilespmem:s4], [sflag:$0x2] =	stream.linear.gather [hbm4b:s29+s4], $0x80, $0x38;
	[tilespmem:$0x18680] =	vst v63  }
0x73: {  	_ =	swait.ge [sflag:s22], $0x80  }
0x74: {  	[sflag:s22] =	ssyncset.done $0x0  }
0x75: {  	[sflag:s22] =	ssyncadd.s32 $0xFFFFFF80  }
0x76: {  	[tilespmem:s24], [sflag:$0x2] =	stream.linear.gather [hbm4b:s20+s4], $0x80, $0x38;
	[tilespmem:$0x18680] =	vst v63  }
0x77: {  	_ =	swait.ge [sflag:s22], $0x80  }
0x78: {  	[sflag:s22] =	ssyncset.done $0x0  }
0x79: {  	[sflag:s22] =	ssyncadd.s32 $0xFFFFFF80  }
0x7a: {  	[tilespmem:s21], [sflag:$0x1] =	stream.indirect.gather [hbm4b:s5+s24], $0x80, s24, s24, $0xb8;
	[tilespmem:$0x18680] =	vst v63  }
0x7b: {  	_ =	swait.ge [sflag:s25], $0x4000  }
0x7c: {  	[sflag:s25] =	ssyncset.done $0x0  }
0x7d: {  	[sflag:s25] =	ssyncadd.s32 $0xFFFFC000  }
0x7e: {  	[spmem:s2] =	stream.indirect.scatter.add.f32 [tilespmem:s21], [sflag:$0x2], $0x80, s4, s24, $0xb8;
	[tilespmem:$0x18680] =	vst v63  }
0x7f: {  	_ =	swait.ge [sflag:s22], $0x4000  }
0x80: {  	[sflag:s22] =	ssyncset.done $0x0  }
0x81: {  	[sflag:s22] =	ssyncadd.s32 $0xFFFFC000  }
0x82: {  	[spmem:s3] =	stream.indirect.scatter.add.f32 [tilespmem:s26], [sflag:$0x2], $0x1, s4, s24, $0xb8;
	[tilespmem:$0x18680] =	vst v63  }
0x83: {  	s30 =	simm.s32 $0x10;
	_ =	swait.ge [sflag:s22], $0x80  }
0x84: {  	s31 =	simm.s32 $0x20;
	s29 =	sadd.s32 $0x20, s20;
	[sflag:s22] =	ssyncset.done $0x0  }
.LBB2_4:
0x85: {  	s0 =	sadd.s32 s30, s19  }
0x86: {  	[sflag:s22] =	ssyncadd.s32 $0xFFFFFF80;
	s30 =	smov.u32 s31;
	s1 =	sadd.s32 $0x10, s31  }
0x87: {  	[tilespmem:s4], [sflag:$0x2] =	stream.linear.gather [hbm4b:s0+s4], $0x80, $0x38;
	[tilespmem:$0x18680] =	vst v63  }
0x88: {  	p1 =	sne.s32 s31, $0x9C0;
	_ =	swait.ge [sflag:s22], $0x80  }
0x89: {  	[sflag:s22] =	ssyncset.done $0x0  }
0x8a: {  	[sflag:s22] =	ssyncadd.s32 $0xFFFFFF80  }
0x8b: {  	[tilespmem:s24], [sflag:$0x2] =	stream.linear.gather [hbm4b:s29+s4], $0x80, $0x38;
	[tilespmem:$0x18680] =	vst v63  }
0x8c: {  	_ =	swait.ge [sflag:s22], $0x80  }
0x8d: {  	[sflag:s22] =	ssyncset.done $0x0  }
0x8e: {  	[sflag:s22] =	ssyncadd.s32 $0xFFFFFF80  }
0x8f: {  	[tilespmem:s21], [sflag:$0x1] =	stream.indirect.gather [hbm4b:s5+s24], $0x80, s24, s24, $0xb8;
	[tilespmem:$0x18680] =	vst v63  }
0x90: {  	_ =	swait.ge [sflag:s25], $0x4000  }
0x91: {  	[sflag:s25] =	ssyncset.done $0x0  }
0x92: {  	[sflag:s25] =	ssyncadd.s32 $0xFFFFC000  }
0x93: {  	[spmem:s2] =	stream.indirect.scatter.add.f32 [tilespmem:s21], [sflag:$0x2], $0x80, s4, s24, $0xb8;
	[tilespmem:$0x18680] =	vst v63  }
0x94: {  	_ =	swait.ge [sflag:s22], $0x4000  }
.Ltmp1:
0x95: {  	[sflag:s22] =	ssyncset.done $0x0;
	(pc) =	sbr.rel @p1 .LBB2_4-.Ltmp1, $4  }
0x96: {  	[sflag:s22] =	ssyncadd.s32 $0xFFFFC000  }
0x97: {  	[spmem:s3] =	stream.indirect.scatter.add.f32 [tilespmem:s26], [sflag:$0x2], $0x1, s4, s24, $0xb8;
	[tilespmem:$0x18680] =	vst v63  }
0x98: {  	_ =	swait.ge [sflag:s22], $0x80  }
0x99: {  	s31 =	smov.u32 s1;
	s29 =	sadd.s32 $0x20, s29;
	[sflag:s22] =	ssyncset.done $0x0  }
0x9a: {  	s0 =	sadd.s32 s30, s19;
	[sflag:s22] =	ssyncadd.s32 $0xFFFFFF80  }
0x9b: {  	[tilespmem:s4], [sflag:$0x2] =	stream.linear.gather [hbm4b:s0+s4], $0x80, $0x38;
	[tilespmem:$0x18680] =	vst v63  }
0x9c: {  	_ =	swait.ge [sflag:s22], $0x80  }
0x9d: {  	[sflag:s22] =	ssyncset.done $0x0  }
0x9e: {  	[sflag:s22] =	ssyncadd.s32 $0xFFFFFF80  }
0x9f: {  	[tilespmem:s24], [sflag:$0x2] =	stream.linear.gather [hbm4b:s29+s4], $0x80, $0x38;
	[tilespmem:$0x18680] =	vst v63  }
0xa0: {  	_ =	swait.ge [sflag:s22], $0x80  }
0xa1: {  	[sflag:s22] =	ssyncset.done $0x0  }
0xa2: {  	[sflag:s22] =	ssyncadd.s32 $0xFFFFFF80  }
0xa3: {  	[tilespmem:s21], [sflag:$0x1] =	stream.indirect.gather [hbm4b:s5+s24], $0x80, s24, s24, $0xb8;
	[tilespmem:$0x18680] =	vst v63  }
0xa4: {  	_ =	swait.ge [sflag:s25], $0x4000  }
0xa5: {  	[sflag:s25] =	ssyncset.done $0x0  }
0xa6: {  	[sflag:s25] =	ssyncadd.s32 $0xFFFFC000  }
0xa7: {  	[spmem:s2] =	stream.indirect.scatter.add.f32 [tilespmem:s21], [sflag:$0x2], $0x80, s4, s24, $0xb8;
	[tilespmem:$0x18680] =	vst v63  }
0xa8: {  	_ =	swait.ge [sflag:s22], $0x4000  }
0xa9: {  	[sflag:s22] =	ssyncset.done $0x0  }
0xaa: {  	[sflag:s22] =	ssyncadd.s32 $0xFFFFC000  }
0xab: {  	[spmem:s3] =	stream.indirect.scatter.add.f32 [tilespmem:s26], [sflag:$0x2], $0x1, s4, s24, $0xb8;
	[tilespmem:$0x18680] =	vst v63  }
0xac: {  	_ =	swait.ge [sflag:s22], $0x80  }
0xad: {  	s30 =	stileid.u32;
	[sflag:s22] =	ssyncset.done $0x0  }
0xae: {  	s0 =	sshll.u32 s30, $0x6;
	[sflag:s22] =	ssyncadd.s32 $0xFFFFFF80  }
0xaf: {  	s1 =	sshrl.u32 s6, $0x3;
	s0 =	sor.u32 $0x1C02, s0;
	[bflag:$0x0] =	sbarrier.arrive $0xFFFF  }
0xb0: {  	[hbm:s12], [sflag:s0] =	dma.local [spmem:s1], $0x800  }
0xb1: {  	_ =	swait.ge [sflag:s22], $0x800  }
0xb2: {  	[sflag:s22] =	ssyncset.done $0x0  }
0xb3: {  	s31 =	sshrl.u32 s7, $0x3;
	[sflag:s22] =	ssyncadd.s32 $0xFFFFF800  }
0xb4: {  	[hbm:s13], [sflag:s0] =	dma.local [spmem:s31], $0x800  }
0xb5: {  	_ =	swait.ge [sflag:s22], $0x800  }
0xb6: {  	[sflag:s22] =	ssyncset.done $0x0  }
0xb7: {  	s29 =	sshrl.u32 s8, $0x3;
	[sflag:s22] =	ssyncadd.s32 $0xFFFFF800  }
0xb8: {  	[hbm:s14], [sflag:s0] =	dma.local [spmem:s29], $0x800  }
0xb9: {  	_ =	swait.ge [sflag:s22], $0x800  }
0xba: {  	[sflag:s22] =	ssyncset.done $0x0  }
0xbb: {  	s30 =	sshrl.u32 s9, $0x3;
	[sflag:s22] =	ssyncadd.s32 $0xFFFFF800  }
0xbc: {  	[hbm:s15], [sflag:s0] =	dma.local [spmem:s30], $0x800  }
0xbd: {  	_ =	swait.ge [sflag:s22], $0x800  }
0xbe: {  	[sflag:s22] =	ssyncset.done $0x0  }
0xbf: {  	s31 =	sshrl.u32 s10, $0x3;
	[sflag:s22] =	ssyncadd.s32 $0xFFFFF800  }
0xc0: {  	[hbm:s16], [sflag:s0] =	dma.local [spmem:s31], $0x800  }
0xc1: {  	_ =	swait.ge [sflag:s22], $0x800  }
0xc2: {  	s28 =	sadd.s32 $0x1, s28;
	[sflag:s22] =	ssyncset.done $0x0  }
0xc3: {  	p1 =	sne.s32 s28, s18;
	s1 =	sshrl.u32 @!p0 s11, $0x3;
	[sflag:s22] =	ssyncadd.s32 $0xFFFFF800  }
0xc4: {  	[hbm:s17], [sflag:s0] =	dma.local @!p0 [spmem:s1], $0x50  }
.Ltmp2:
0xc5: {  	_ = 	snop;
	(pc) =	sbr.rel @p1 .LBB2_1-.Ltmp2, $4  }
0xc6: {  	s0 =	simm.s32 @!p0 $0x2  }
0xc7: {  	_ =	swait.ge @!p0 [sflag:s0], $0x50  }
0xc8: {  	[sflag:s0] =	ssyncset.done @!p0 $0x0  }
0xc9: {  	[sflag:s0] =	ssyncadd.s32 @!p0 $0xFFFFFFB0  }
0xca: {  	_ =	sfence.sel $0x180000  }
0xcb: {  	[bflag:$0x0] =	sbarrier.arrive $0xFFFF  }
0xcc: {  	_ =	strace $0x90000047  }
0xcd: {  	s0 =	stileid.u32;
	[bflag:$0x2] =	sbarrier.arrive $0xFFFF  }
0xce: {  	p0 =	sne.s32 s0, $0x0;
	s0 =	rddreg [dreg:$0x3]  }
0xcf: {  	s0 =	sadd.s32 @!p0 $0x100000, s0  }
0xd0: {  	[sflag:s0] =	ssyncadd.tile.s32 @!p0 $0x1;
	_ =	shalt  }
.Lfunc_end2:
_tile_overlayer_lowered:
.L_overlay_start_2:
0xd1: {  	(tag) =	ssettag $0x2  }
0xd2: {  	s0 =	rddreg [dreg:$0x0];
	s2 =	stileid.u32  }
0xd3: {  	s1 =	rddreg [dreg:$0x1];
	p0 =	sne.s32 s2, $0x0  }
0xd4: {  	s3 =	rddreg [dreg:$0x2];
	[bflag:$0x3] =	sbarrier.arrive $0xFFFF;
	s2 =	simm.s32 @!p0 $0x1C02  }
0xd5: {  	[timem:s3], [sflag:s2] =	dma.local @!p0 [hbm:s0], s1  }
0xd6: {  	s0 =	simm.s32 @!p0 $0x2  }
0xd7: {  	_ =	swait.ge @!p0 [sflag:s0], s1  }
0xd8: {  	s1 =	ssub.s32 @!p0 $0x0, s1;
	[sflag:s0] =	ssyncset.done @!p0 $0x0  }
0xd9: {  	[sflag:s0] =	ssyncadd.s32 @!p0 s1  }
0xda: {  	[bflag:$0x3] =	sbarrier.arrive $0xFFFF  }
0xdb: {  	_ =	shalt  }

</sc_bundles>
